<compile_context>
chip_gen: v7x
topology: tpu7x:2x2x1
jax: 0.10.2.dev20260603
libtpu: 0.0.44.dev20260713+nightly
codegen_flags: <defaults>
</compile_context>

<pallas_src>
import functools

import jax
import jax.numpy as jnp
from jax import lax
from jax.experimental import pallas as pl
from jax.experimental.pallas import tpu as pltpu
from jax.experimental.pallas import tpu_sc as plsc

B, S, D = 4, 8192, 2048
NC, NS = 2, 16
NW = NC * NS
ROWS_PER_W = S // NW

CHUNKS = [32, 24, 32, 24, 32, 24, 32, 24, 32]
OFFS = [sum(CHUNKS[:i]) for i in range(len(CHUNKS))]
NCH = len(CHUNKS)
B0, B1 = 32, 24

_mesh = plsc.VectorSubcoreMesh(core_axis_name="c", subcore_axis_name="s")


@functools.partial(
    pl.kernel,
    mesh=_mesh,
    out_type=jax.ShapeDtypeStruct((B * S, D), jnp.float32),
    scratch_types=[
        pltpu.VMEM((B0, D), jnp.float32),
        pltpu.VMEM((B1, D), jnp.float32),
        pltpu.SemaphoreType.DMA,
        pltpu.SemaphoreType.DMA,
        pltpu.SemaphoreType.DMA,
        pltpu.SemaphoreType.DMA,
    ],
)
def _bcast_sc(pos_hbm, out_hbm, buf0, buf1, g0, g1, s0, s1):
    wid = lax.axis_index("s") * NC + lax.axis_index("c")
    base0 = wid * ROWS_PER_W
    bufs, gsems, ssems = [buf0, buf1], [g0, g1], [s0, s1]

    def buf_for(c):
        i = c % 2
        n = CHUNKS[c]
        b = bufs[i]
        return b if n == b.shape[0] else b.at[pl.ds(0, n)]

    def gather(c):
        return pltpu.async_copy(
            pos_hbm.at[pl.ds(base0 + OFFS[c], CHUNKS[c])],
            buf_for(c), gsems[c % 2])

    def scatters(c):
        return [
            pltpu.async_copy(
                buf_for(c),
                out_hbm.at[pl.ds(b * S + base0 + OFFS[c], CHUNKS[c])],
                ssems[c % 2])
            for b in range(B)
        ]

    pending_g = gather(0)
    pending_s = {}
    for c in range(NCH):
        pending_g.wait()
        pending_s[c] = scatters(c)
        if c + 1 < NCH:
            if c >= 1:
                for cp in pending_s.pop(c - 1):
                    cp.wait()
            pending_g = gather(c + 1)
    for c in sorted(pending_s):
        for cp in pending_s[c]:
            cp.wait()


def kernel(x, pos_emb):
    del x
    out2d = _bcast_sc(pos_emb)
    return out2d.reshape(B, S, D)

# --- scband reference (transcript-rebuilt; emitter-appended) ---
"""Pipeline reference for scband-position-embedder-6012954214614 (READ-ONLY COPY).

The authoritative reference and input builder live on the scoring server;
editing this copy changes nothing except your own understanding.
"""

import jax, jax.numpy as jnp
import numpy as np


def setup_inputs(seed: int = 0) -> dict:
    key = jax.random.key(seed)
    k1, k2 = jax.random.split(key)
    x = jax.random.normal(k1, (4, 8192, 2048), dtype=jnp.float32)
    pos_emb = jax.random.normal(k2, (8192, 2048), dtype=jnp.float32) * 0.02
    return {"x": x, "pos_emb": pos_emb}


def reference(x, pos_emb):
    # kv_cache is None branch: positions = arange(0, S) expanded to (B, S)
    B, S = x.shape[0], x.shape[1]
    positions = jnp.arange(0, S)
    emb = jnp.take(pos_emb, positions, axis=0)  # (S, D) embedding gather
    out = jnp.broadcast_to(emb[None, :, :], (B, S, emb.shape[-1]))
    return out

if __name__ == "__main__":
    import jax
    _d = setup_inputs()
    print(jax.jit(kernel)(*tuple(_d.values())))

</pallas_src>

<mosaic_0001>
#map = affine_map<(d0, d1) -> (0, 0)>
module attributes {stable_mosaic.version = 14 : i64} {
  func.func @_bcast_sc(%arg0: i32, %arg1: i32, %arg2: memref<8192x2048xf32, #tpu.memory_space<hbm>>, %arg3: memref<32768x2048xf32, #tpu.memory_space<hbm>>, %arg4: memref<32x2048xf32, #tpu.memory_space<vmem>>, %arg5: memref<24x2048xf32, #tpu.memory_space<vmem>>, %arg6: memref<!tpu.dma_semaphore, #tpu.memory_space<semaphore_mem>>, %arg7: memref<!tpu.dma_semaphore, #tpu.memory_space<semaphore_mem>>, %arg8: memref<!tpu.dma_semaphore, #tpu.memory_space<semaphore_mem>>, %arg9: memref<!tpu.dma_semaphore, #tpu.memory_space<semaphore_mem>>) attributes {dimension_semantics = [#tpu.dimension_semantics<core_parallel>, #tpu.dimension_semantics<subcore_parallel>], iteration_bounds = array<i64: 2, 16>, scalar_prefetch = 0 : i64, scratch_operands = 6 : i64, tpu.core_type = #tpu.core_type<sc_vector_subcore>, window_params = [{transform_indices = #map}, {transform_indices = #map}]} {
    %mul3A = arith.constant 2 : i32
    %mul3A_0 = arith.muli %arg1, %mul3A : i32
    %add3A = arith.addi %mul3A_0, %arg0 : i32
    %mul3A_1 = arith.constant 256 : i32
    %mul3A_2 = arith.muli %add3A, %mul3A_1 : i32
    %add3A_3 = arith.constant 0 : i32
    %add3A_4 = arith.addi %mul3A_2, %add3A_3 : i32
    %dma_start3A = arith.constant 0 : i32
    %dma_start3A_5 = tpu.memref_slice %arg2[%add3A_4, %dma_start3A] : memref<8192x2048xf32, #tpu.memory_space<hbm>> -> memref<32x2048xf32, #tpu.memory_space<hbm>>
    %dma_start3A_6 = arith.constant 0 : i32
    %dma_start3A_7 = tpu.memref_slice %arg2[%add3A_4, %dma_start3A_6] : memref<8192x2048xf32, #tpu.memory_space<hbm>> -> memref<32x2048xf32, #tpu.memory_space<hbm>>
    tpu.enqueue_dma source(%dma_start3A_7 : memref<32x2048xf32, #tpu.memory_space<hbm>>) target(%arg4 : memref<32x2048xf32, #tpu.memory_space<vmem>>) target_semaphore(%arg6 : memref<!tpu.dma_semaphore, #tpu.memory_space<semaphore_mem>>)
    %dma_wait3A = arith.constant 0 : i32
    %dma_wait3A_8 = tpu.memref_slice %arg2[%add3A_4, %dma_wait3A] : memref<8192x2048xf32, #tpu.memory_space<hbm>> -> memref<32x2048xf32, #tpu.memory_space<hbm>>
    %dma_wait3A_9 = arith.constant 0 : i32
    %dma_wait3A_10 = tpu.memref_slice %arg2[%add3A_4, %dma_wait3A_9] : memref<8192x2048xf32, #tpu.memory_space<hbm>> -> memref<32x2048xf32, #tpu.memory_space<hbm>>
    tpu.wait_dma2 semaphore(%arg6 : memref<!tpu.dma_semaphore, #tpu.memory_space<semaphore_mem>>) src(%dma_wait3A_10 : memref<32x2048xf32, #tpu.memory_space<hbm>>) dst(%arg4 : memref<32x2048xf32, #tpu.memory_space<vmem>>)
    %add3A_11 = arith.constant 0 : i32
    %add3A_12 = arith.addi %add3A_11, %mul3A_2 : i32
    %add3A_13 = arith.constant 0 : i32
    %add3A_14 = arith.addi %add3A_12, %add3A_13 : i32
    %dma_start3A_15 = arith.constant 0 : i32
    %dma_start3A_16 = tpu.memref_slice %arg3[%add3A_14, %dma_start3A_15] : memref<32768x2048xf32, #tpu.memory_space<hbm>> -> memref<32x2048xf32, #tpu.memory_space<hbm>>
    %dma_start3A_17 = arith.constant 0 : i32
    %dma_start3A_18 = tpu.memref_slice %arg3[%add3A_14, %dma_start3A_17] : memref<32768x2048xf32, #tpu.memory_space<hbm>> -> memref<32x2048xf32, #tpu.memory_space<hbm>>
    tpu.enqueue_dma source(%arg4 : memref<32x2048xf32, #tpu.memory_space<vmem>>) target(%dma_start3A_18 : memref<32x2048xf32, #tpu.memory_space<hbm>>) target_semaphore(%arg8 : memref<!tpu.dma_semaphore, #tpu.memory_space<semaphore_mem>>)
    %add3A_19 = arith.constant 8192 : i32
    %add3A_20 = arith.addi %add3A_19, %mul3A_2 : i32
    %add3A_21 = arith.constant 0 : i32
    %add3A_22 = arith.addi %add3A_20, %add3A_21 : i32
    %dma_start3A_23 = arith.constant 0 : i32
    %dma_start3A_24 = tpu.memref_slice %arg3[%add3A_22, %dma_start3A_23] : memref<32768x2048xf32, #tpu.memory_space<hbm>> -> memref<32x2048xf32, #tpu.memory_space<hbm>>
    %dma_start3A_25 = arith.constant 0 : i32
    %dma_start3A_26 = tpu.memref_slice %arg3[%add3A_22, %dma_start3A_25] : memref<32768x2048xf32, #tpu.memory_space<hbm>> -> memref<32x2048xf32, #tpu.memory_space<hbm>>
    tpu.enqueue_dma source(%arg4 : memref<32x2048xf32, #tpu.memory_space<vmem>>) target(%dma_start3A_26 : memref<32x2048xf32, #tpu.memory_space<hbm>>) target_semaphore(%arg8 : memref<!tpu.dma_semaphore, #tpu.memory_space<semaphore_mem>>)
    %add3A_27 = arith.constant 16384 : i32
    %add3A_28 = arith.addi %add3A_27, %mul3A_2 : i32
    %add3A_29 = arith.constant 0 : i32
    %add3A_30 = arith.addi %add3A_28, %add3A_29 : i32
    %dma_start3A_31 = arith.constant 0 : i32
    %dma_start3A_32 = tpu.memref_slice %arg3[%add3A_30, %dma_start3A_31] : memref<32768x2048xf32, #tpu.memory_space<hbm>> -> memref<32x2048xf32, #tpu.memory_space<hbm>>
    %dma_start3A_33 = arith.constant 0 : i32
    %dma_start3A_34 = tpu.memref_slice %arg3[%add3A_30, %dma_start3A_33] : memref<32768x2048xf32, #tpu.memory_space<hbm>> -> memref<32x2048xf32, #tpu.memory_space<hbm>>
    tpu.enqueue_dma source(%arg4 : memref<32x2048xf32, #tpu.memory_space<vmem>>) target(%dma_start3A_34 : memref<32x2048xf32, #tpu.memory_space<hbm>>) target_semaphore(%arg8 : memref<!tpu.dma_semaphore, #tpu.memory_space<semaphore_mem>>)
    %add3A_35 = arith.constant 24576 : i32
    %add3A_36 = arith.addi %add3A_35, %mul3A_2 : i32
    %add3A_37 = arith.constant 0 : i32
    %add3A_38 = arith.addi %add3A_36, %add3A_37 : i32
    %dma_start3A_39 = arith.constant 0 : i32
    %dma_start3A_40 = tpu.memref_slice %arg3[%add3A_38, %dma_start3A_39] : memref<32768x2048xf32, #tpu.memory_space<hbm>> -> memref<32x2048xf32, #tpu.memory_space<hbm>>
    %dma_start3A_41 = arith.constant 0 : i32
    %dma_start3A_42 = tpu.memref_slice %arg3[%add3A_38, %dma_start3A_41] : memref<32768x2048xf32, #tpu.memory_space<hbm>> -> memref<32x2048xf32, #tpu.memory_space<hbm>>
    tpu.enqueue_dma source(%arg4 : memref<32x2048xf32, #tpu.memory_space<vmem>>) target(%dma_start3A_42 : memref<32x2048xf32, #tpu.memory_space<hbm>>) target_semaphore(%arg8 : memref<!tpu.dma_semaphore, #tpu.memory_space<semaphore_mem>>)
    %add3A_43 = arith.constant 32 : i32
    %add3A_44 = arith.addi %mul3A_2, %add3A_43 : i32
    %dma_start3A_45 = arith.constant 0 : i32
    %dma_start3A_46 = tpu.memref_slice %arg2[%add3A_44, %dma_start3A_45] : memref<8192x2048xf32, #tpu.memory_space<hbm>> -> memref<24x2048xf32, #tpu.memory_space<hbm>>
    %dma_start3A_47 = arith.constant 0 : i32
    %dma_start3A_48 = tpu.memref_slice %arg2[%add3A_44, %dma_start3A_47] : memref<8192x2048xf32, #tpu.memory_space<hbm>> -> memref<24x2048xf32, #tpu.memory_space<hbm>>
    tpu.enqueue_dma source(%dma_start3A_48 : memref<24x2048xf32, #tpu.memory_space<hbm>>) target(%arg5 : memref<24x2048xf32, #tpu.memory_space<vmem>>) target_semaphore(%arg7 : memref<!tpu.dma_semaphore, #tpu.memory_space<semaphore_mem>>)
    %dma_wait3A_49 = arith.constant 0 : i32
    %dma_wait3A_50 = tpu.memref_slice %arg2[%add3A_44, %dma_wait3A_49] : memref<8192x2048xf32, #tpu.memory_space<hbm>> -> memref<24x2048xf32, #tpu.memory_space<hbm>>
    %dma_wait3A_51 = arith.constant 0 : i32
    %dma_wait3A_52 = tpu.memref_slice %arg2[%add3A_44, %dma_wait3A_51] : memref<8192x2048xf32, #tpu.memory_space<hbm>> -> memref<24x2048xf32, #tpu.memory_space<hbm>>
    tpu.wait_dma2 semaphore(%arg7 : memref<!tpu.dma_semaphore, #tpu.memory_space<semaphore_mem>>) src(%dma_wait3A_52 : memref<24x2048xf32, #tpu.memory_space<hbm>>) dst(%arg5 : memref<24x2048xf32, #tpu.memory_space<vmem>>)
    %add3A_53 = arith.constant 0 : i32
    %add3A_54 = arith.addi %add3A_53, %mul3A_2 : i32
    %add3A_55 = arith.constant 32 : i32
    %add3A_56 = arith.addi %add3A_54, %add3A_55 : i32
    %dma_start3A_57 = arith.constant 0 : i32
    %dma_start3A_58 = tpu.memref_slice %arg3[%add3A_56, %dma_start3A_57] : memref<32768x2048xf32, #tpu.memory_space<hbm>> -> memref<24x2048xf32, #tpu.memory_space<hbm>>
    %dma_start3A_59 = arith.constant 0 : i32
    %dma_start3A_60 = tpu.memref_slice %arg3[%add3A_56, %dma_start3A_59] : memref<32768x2048xf32, #tpu.memory_space<hbm>> -> memref<24x2048xf32, #tpu.memory_space<hbm>>
    tpu.enqueue_dma source(%arg5 : memref<24x2048xf32, #tpu.memory_space<vmem>>) target(%dma_start3A_60 : memref<24x2048xf32, #tpu.memory_space<hbm>>) target_semaphore(%arg9 : memref<!tpu.dma_semaphore, #tpu.memory_space<semaphore_mem>>)
    %add3A_61 = arith.constant 8192 : i32
    %add3A_62 = arith.addi %add3A_61, %mul3A_2 : i32
    %add3A_63 = arith.constant 32 : i32
    %add3A_64 = arith.addi %add3A_62, %add3A_63 : i32
    %dma_start3A_65 = arith.constant 0 : i32
    %dma_start3A_66 = tpu.memref_slice %arg3[%add3A_64, %dma_start3A_65] : memref<32768x2048xf32, #tpu.memory_space<hbm>> -> memref<24x2048xf32, #tpu.memory_space<hbm>>
    %dma_start3A_67 = arith.constant 0 : i32
    %dma_start3A_68 = tpu.memref_slice %arg3[%add3A_64, %dma_start3A_67] : memref<32768x2048xf32, #tpu.memory_space<hbm>> -> memref<24x2048xf32, #tpu.memory_space<hbm>>
    tpu.enqueue_dma source(%arg5 : memref<24x2048xf32, #tpu.memory_space<vmem>>) target(%dma_start3A_68 : memref<24x2048xf32, #tpu.memory_space<hbm>>) target_semaphore(%arg9 : memref<!tpu.dma_semaphore, #tpu.memory_space<semaphore_mem>>)
    %add3A_69 = arith.constant 16384 : i32
    %add3A_70 = arith.addi %add3A_69, %mul3A_2 : i32
    %add3A_71 = arith.constant 32 : i32
    %add3A_72 = arith.addi %add3A_70, %add3A_71 : i32
    %dma_start3A_73 = arith.constant 0 : i32
    %dma_start3A_74 = tpu.memref_slice %arg3[%add3A_72, %dma_start3A_73] : memref<32768x2048xf32, #tpu.memory_space<hbm>> -> memref<24x2048xf32, #tpu.memory_space<hbm>>
    %dma_start3A_75 = arith.constant 0 : i32
    %dma_start3A_76 = tpu.memref_slice %arg3[%add3A_72, %dma_start3A_75] : memref<32768x2048xf32, #tpu.memory_space<hbm>> -> memref<24x2048xf32, #tpu.memory_space<hbm>>
    tpu.enqueue_dma source(%arg5 : memref<24x2048xf32, #tpu.memory_space<vmem>>) target(%dma_start3A_76 : memref<24x2048xf32, #tpu.memory_space<hbm>>) target_semaphore(%arg9 : memref<!tpu.dma_semaphore, #tpu.memory_space<semaphore_mem>>)
    %add3A_77 = arith.constant 24576 : i32
    %add3A_78 = arith.addi %add3A_77, %mul3A_2 : i32
    %add3A_79 = arith.constant 32 : i32
    %add3A_80 = arith.addi %add3A_78, %add3A_79 : i32
    %dma_start3A_81 = arith.constant 0 : i32
    %dma_start3A_82 = tpu.memref_slice %arg3[%add3A_80, %dma_start3A_81] : memref<32768x2048xf32, #tpu.memory_space<hbm>> -> memref<24x2048xf32, #tpu.memory_space<hbm>>
    %dma_start3A_83 = arith.constant 0 : i32
    %dma_start3A_84 = tpu.memref_slice %arg3[%add3A_80, %dma_start3A_83] : memref<32768x2048xf32, #tpu.memory_space<hbm>> -> memref<24x2048xf32, #tpu.memory_space<hbm>>
    tpu.enqueue_dma source(%arg5 : memref<24x2048xf32, #tpu.memory_space<vmem>>) target(%dma_start3A_84 : memref<24x2048xf32, #tpu.memory_space<hbm>>) target_semaphore(%arg9 : memref<!tpu.dma_semaphore, #tpu.memory_space<semaphore_mem>>)
    %dma_wait3A_85 = arith.constant 0 : i32
    %dma_wait3A_86 = tpu.memref_slice %arg3[%add3A_14, %dma_wait3A_85] : memref<32768x2048xf32, #tpu.memory_space<hbm>> -> memref<32x2048xf32, #tpu.memory_space<hbm>>
    %dma_wait3A_87 = arith.constant 0 : i32
    %dma_wait3A_88 = tpu.memref_slice %arg3[%add3A_14, %dma_wait3A_87] : memref<32768x2048xf32, #tpu.memory_space<hbm>> -> memref<32x2048xf32, #tpu.memory_space<hbm>>
    tpu.wait_dma2 semaphore(%arg8 : memref<!tpu.dma_semaphore, #tpu.memory_space<semaphore_mem>>) src(%arg4 : memref<32x2048xf32, #tpu.memory_space<vmem>>) dst(%dma_wait3A_88 : memref<32x2048xf32, #tpu.memory_space<hbm>>)
    %dma_wait3A_89 = arith.constant 0 : i32
    %dma_wait3A_90 = tpu.memref_slice %arg3[%add3A_22, %dma_wait3A_89] : memref<32768x2048xf32, #tpu.memory_space<hbm>> -> memref<32x2048xf32, #tpu.memory_space<hbm>>
    %dma_wait3A_91 = arith.constant 0 : i32
    %dma_wait3A_92 = tpu.memref_slice %arg3[%add3A_22, %dma_wait3A_91] : memref<32768x2048xf32, #tpu.memory_space<hbm>> -> memref<32x2048xf32, #tpu.memory_space<hbm>>
    tpu.wait_dma2 semaphore(%arg8 : memref<!tpu.dma_semaphore, #tpu.memory_space<semaphore_mem>>) src(%arg4 : memref<32x2048xf32, #tpu.memory_space<vmem>>) dst(%dma_wait3A_92 : memref<32x2048xf32, #tpu.memory_space<hbm>>)
    %dma_wait3A_93 = arith.constant 0 : i32
    %dma_wait3A_94 = tpu.memref_slice %arg3[%add3A_30, %dma_wait3A_93] : memref<32768x2048xf32, #tpu.memory_space<hbm>> -> memref<32x2048xf32, #tpu.memory_space<hbm>>
    %dma_wait3A_95 = arith.constant 0 : i32
    %dma_wait3A_96 = tpu.memref_slice %arg3[%add3A_30, %dma_wait3A_95] : memref<32768x2048xf32, #tpu.memory_space<hbm>> -> memref<32x2048xf32, #tpu.memory_space<hbm>>
    tpu.wait_dma2 semaphore(%arg8 : memref<!tpu.dma_semaphore, #tpu.memory_space<semaphore_mem>>) src(%arg4 : memref<32x2048xf32, #tpu.memory_space<vmem>>) dst(%dma_wait3A_96 : memref<32x2048xf32, #tpu.memory_space<hbm>>)
    %dma_wait3A_97 = arith.constant 0 : i32
    %dma_wait3A_98 = tpu.memref_slice %arg3[%add3A_38, %dma_wait3A_97] : memref<32768x2048xf32, #tpu.memory_space<hbm>> -> memref<32x2048xf32, #tpu.memory_space<hbm>>
    %dma_wait3A_99 = arith.constant 0 : i32
    %dma_wait3A_100 = tpu.memref_slice %arg3[%add3A_38, %dma_wait3A_99] : memref<32768x2048xf32, #tpu.memory_space<hbm>> -> memref<32x2048xf32, #tpu.memory_space<hbm>>
    tpu.wait_dma2 semaphore(%arg8 : memref<!tpu.dma_semaphore, #tpu.memory_space<semaphore_mem>>) src(%arg4 : memref<32x2048xf32, #tpu.memory_space<vmem>>) dst(%dma_wait3A_100 : memref<32x2048xf32, #tpu.memory_space<hbm>>)
    %add3A_101 = arith.constant 56 : i32
    %add3A_102 = arith.addi %mul3A_2, %add3A_101 : i32
    %dma_start3A_103 = arith.constant 0 : i32
    %dma_start3A_104 = tpu.memref_slice %arg2[%add3A_102, %dma_start3A_103] : memref<8192x2048xf32, #tpu.memory_space<hbm>> -> memref<32x2048xf32, #tpu.memory_space<hbm>>
    %dma_start3A_105 = arith.constant 0 : i32
    %dma_start3A_106 = tpu.memref_slice %arg2[%add3A_102, %dma_start3A_105] : memref<8192x2048xf32, #tpu.memory_space<hbm>> -> memref<32x2048xf32, #tpu.memory_space<hbm>>
    tpu.enqueue_dma source(%dma_start3A_106 : memref<32x2048xf32, #tpu.memory_space<hbm>>) target(%arg4 : memref<32x2048xf32, #tpu.memory_space<vmem>>) target_semaphore(%arg6 : memref<!tpu.dma_semaphore, #tpu.memory_space<semaphore_mem>>)
    %dma_wait3A_107 = arith.constant 0 : i32
    %dma_wait3A_108 = tpu.memref_slice %arg2[%add3A_102, %dma_wait3A_107] : memref<8192x2048xf32, #tpu.memory_space<hbm>> -> memref<32x2048xf32, #tpu.memory_space<hbm>>
    %dma_wait3A_109 = arith.constant 0 : i32
    %dma_wait3A_110 = tpu.memref_slice %arg2[%add3A_102, %dma_wait3A_109] : memref<8192x2048xf32, #tpu.memory_space<hbm>> -> memref<32x2048xf32, #tpu.memory_space<hbm>>
    tpu.wait_dma2 semaphore(%arg6 : memref<!tpu.dma_semaphore, #tpu.memory_space<semaphore_mem>>) src(%dma_wait3A_110 : memref<32x2048xf32, #tpu.memory_space<hbm>>) dst(%arg4 : memref<32x2048xf32, #tpu.memory_space<vmem>>)
    %add3A_111 = arith.constant 0 : i32
    %add3A_112 = arith.addi %add3A_111, %mul3A_2 : i32
    %add3A_113 = arith.constant 56 : i32
    %add3A_114 = arith.addi %add3A_112, %add3A_113 : i32
    %dma_start3A_115 = arith.constant 0 : i32
    %dma_start3A_116 = tpu.memref_slice %arg3[%add3A_114, %dma_start3A_115] : memref<32768x2048xf32, #tpu.memory_space<hbm>> -> memref<32x2048xf32, #tpu.memory_space<hbm>>
    %dma_start3A_117 = arith.constant 0 : i32
    %dma_start3A_118 = tpu.memref_slice %arg3[%add3A_114, %dma_start3A_117] : memref<32768x2048xf32, #tpu.memory_space<hbm>> -> memref<32x2048xf32, #tpu.memory_space<hbm>>
    tpu.enqueue_dma source(%arg4 : memref<32x2048xf32, #tpu.memory_space<vmem>>) target(%dma_start3A_118 : memref<32x2048xf32, #tpu.memory_space<hbm>>) target_semaphore(%arg8 : memref<!tpu.dma_semaphore, #tpu.memory_space<semaphore_mem>>)
    %add3A_119 = arith.constant 8192 : i32
    %add3A_120 = arith.addi %add3A_119, %mul3A_2 : i32
    %add3A_121 = arith.constant 56 : i32
    %add3A_122 = arith.addi %add3A_120, %add3A_121 : i32
    %dma_start3A_123 = arith.constant 0 : i32
    %dma_start3A_124 = tpu.memref_slice %arg3[%add3A_122, %dma_start3A_123] : memref<32768x2048xf32, #tpu.memory_space<hbm>> -> memref<32x2048xf32, #tpu.memory_space<hbm>>
    %dma_start3A_125 = arith.constant 0 : i32
    %dma_start3A_126 = tpu.memref_slice %arg3[%add3A_122, %dma_start3A_125] : memref<32768x2048xf32, #tpu.memory_space<hbm>> -> memref<32x2048xf32, #tpu.memory_space<hbm>>
    tpu.enqueue_dma source(%arg4 : memref<32x2048xf32, #tpu.memory_space<vmem>>) target(%dma_start3A_126 : memref<32x2048xf32, #tpu.memory_space<hbm>>) target_semaphore(%arg8 : memref<!tpu.dma_semaphore, #tpu.memory_space<semaphore_mem>>)
    %add3A_127 = arith.constant 16384 : i32
    %add3A_128 = arith.addi %add3A_127, %mul3A_2 : i32
    %add3A_129 = arith.constant 56 : i32
    %add3A_130 = arith.addi %add3A_128, %add3A_129 : i32
    %dma_start3A_131 = arith.constant 0 : i32
    %dma_start3A_132 = tpu.memref_slice %arg3[%add3A_130, %dma_start3A_131] : memref<32768x2048xf32, #tpu.memory_space<hbm>> -> memref<32x2048xf32, #tpu.memory_space<hbm>>
    %dma_start3A_133 = arith.constant 0 : i32
    %dma_start3A_134 = tpu.memref_slice %arg3[%add3A_130, %dma_start3A_133] : memref<32768x2048xf32, #tpu.memory_space<hbm>> -> memref<32x2048xf32, #tpu.memory_space<hbm>>
    tpu.enqueue_dma source(%arg4 : memref<32x2048xf32, #tpu.memory_space<vmem>>) target(%dma_start3A_134 : memref<32x2048xf32, #tpu.memory_space<hbm>>) target_semaphore(%arg8 : memref<!tpu.dma_semaphore, #tpu.memory_space<semaphore_mem>>)
    %add3A_135 = arith.constant 24576 : i32
    %add3A_136 = arith.addi %add3A_135, %mul3A_2 : i32
    %add3A_137 = arith.constant 56 : i32
    %add3A_138 = arith.addi %add3A_136, %add3A_137 : i32
    %dma_start3A_139 = arith.constant 0 : i32
    %dma_start3A_140 = tpu.memref_slice %arg3[%add3A_138, %dma_start3A_139] : memref<32768x2048xf32, #tpu.memory_space<hbm>> -> memref<32x2048xf32, #tpu.memory_space<hbm>>
    %dma_start3A_141 = arith.constant 0 : i32
    %dma_start3A_142 = tpu.memref_slice %arg3[%add3A_138, %dma_start3A_141] : memref<32768x2048xf32, #tpu.memory_space<hbm>> -> memref<32x2048xf32, #tpu.memory_space<hbm>>
    tpu.enqueue_dma source(%arg4 : memref<32x2048xf32, #tpu.memory_space<vmem>>) target(%dma_start3A_142 : memref<32x2048xf32, #tpu.memory_space<hbm>>) target_semaphore(%arg8 : memref<!tpu.dma_semaphore, #tpu.memory_space<semaphore_mem>>)
    %dma_wait3A_143 = arith.constant 0 : i32
    %dma_wait3A_144 = tpu.memref_slice %arg3[%add3A_56, %dma_wait3A_143] : memref<32768x2048xf32, #tpu.memory_space<hbm>> -> memref<24x2048xf32, #tpu.memory_space<hbm>>
    %dma_wait3A_145 = arith.constant 0 : i32
    %dma_wait3A_146 = tpu.memref_slice %arg3[%add3A_56, %dma_wait3A_145] : memref<32768x2048xf32, #tpu.memory_space<hbm>> -> memref<24x2048xf32, #tpu.memory_space<hbm>>
    tpu.wait_dma2 semaphore(%arg9 : memref<!tpu.dma_semaphore, #tpu.memory_space<semaphore_mem>>) src(%arg5 : memref<24x2048xf32, #tpu.memory_space<vmem>>) dst(%dma_wait3A_146 : memref<24x2048xf32, #tpu.memory_space<hbm>>)
    %dma_wait3A_147 = arith.constant 0 : i32
    %dma_wait3A_148 = tpu.memref_slice %arg3[%add3A_64, %dma_wait3A_147] : memref<32768x2048xf32, #tpu.memory_space<hbm>> -> memref<24x2048xf32, #tpu.memory_space<hbm>>
    %dma_wait3A_149 = arith.constant 0 : i32
    %dma_wait3A_150 = tpu.memref_slice %arg3[%add3A_64, %dma_wait3A_149] : memref<32768x2048xf32, #tpu.memory_space<hbm>> -> memref<24x2048xf32, #tpu.memory_space<hbm>>
    tpu.wait_dma2 semaphore(%arg9 : memref<!tpu.dma_semaphore, #tpu.memory_space<semaphore_mem>>) src(%arg5 : memref<24x2048xf32, #tpu.memory_space<vmem>>) dst(%dma_wait3A_150 : memref<24x2048xf32, #tpu.memory_space<hbm>>)
    %dma_wait3A_151 = arith.constant 0 : i32
    %dma_wait3A_152 = tpu.memref_slice %arg3[%add3A_72, %dma_wait3A_151] : memref<32768x2048xf32, #tpu.memory_space<hbm>> -> memref<24x2048xf32, #tpu.memory_space<hbm>>
    %dma_wait3A_153 = arith.constant 0 : i32
    %dma_wait3A_154 = tpu.memref_slice %arg3[%add3A_72, %dma_wait3A_153] : memref<32768x2048xf32, #tpu.memory_space<hbm>> -> memref<24x2048xf32, #tpu.memory_space<hbm>>
    tpu.wait_dma2 semaphore(%arg9 : memref<!tpu.dma_semaphore, #tpu.memory_space<semaphore_mem>>) src(%arg5 : memref<24x2048xf32, #tpu.memory_space<vmem>>) dst(%dma_wait3A_154 : memref<24x2048xf32, #tpu.memory_space<hbm>>)
    %dma_wait3A_155 = arith.constant 0 : i32
    %dma_wait3A_156 = tpu.memref_slice %arg3[%add3A_80, %dma_wait3A_155] : memref<32768x2048xf32, #tpu.memory_space<hbm>> -> memref<24x2048xf32, #tpu.memory_space<hbm>>
    %dma_wait3A_157 = arith.constant 0 : i32
    %dma_wait3A_158 = tpu.memref_slice %arg3[%add3A_80, %dma_wait3A_157] : memref<32768x2048xf32, #tpu.memory_space<hbm>> -> memref<24x2048xf32, #tpu.memory_space<hbm>>
    tpu.wait_dma2 semaphore(%arg9 : memref<!tpu.dma_semaphore, #tpu.memory_space<semaphore_mem>>) src(%arg5 : memref<24x2048xf32, #tpu.memory_space<vmem>>) dst(%dma_wait3A_158 : memref<24x2048xf32, #tpu.memory_space<hbm>>)
    %add3A_159 = arith.constant 88 : i32
    %add3A_160 = arith.addi %mul3A_2, %add3A_159 : i32
    %dma_start3A_161 = arith.constant 0 : i32
    %dma_start3A_162 = tpu.memref_slice %arg2[%add3A_160, %dma_start3A_161] : memref<8192x2048xf32, #tpu.memory_space<hbm>> -> memref<24x2048xf32, #tpu.memory_space<hbm>>
    %dma_start3A_163 = arith.constant 0 : i32
    %dma_start3A_164 = tpu.memref_slice %arg2[%add3A_160, %dma_start3A_163] : memref<8192x2048xf32, #tpu.memory_space<hbm>> -> memref<24x2048xf32, #tpu.memory_space<hbm>>
    tpu.enqueue_dma source(%dma_start3A_164 : memref<24x2048xf32, #tpu.memory_space<hbm>>) target(%arg5 : memref<24x2048xf32, #tpu.memory_space<vmem>>) target_semaphore(%arg7 : memref<!tpu.dma_semaphore, #tpu.memory_space<semaphore_mem>>)
    %dma_wait3A_165 = arith.constant 0 : i32
    %dma_wait3A_166 = tpu.memref_slice %arg2[%add3A_160, %dma_wait3A_165] : memref<8192x2048xf32, #tpu.memory_space<hbm>> -> memref<24x2048xf32, #tpu.memory_space<hbm>>
    %dma_wait3A_167 = arith.constant 0 : i32
    %dma_wait3A_168 = tpu.memref_slice %arg2[%add3A_160, %dma_wait3A_167] : memref<8192x2048xf32, #tpu.memory_space<hbm>> -> memref<24x2048xf32, #tpu.memory_space<hbm>>
    tpu.wait_dma2 semaphore(%arg7 : memref<!tpu.dma_semaphore, #tpu.memory_space<semaphore_mem>>) src(%dma_wait3A_168 : memref<24x2048xf32, #tpu.memory_space<hbm>>) dst(%arg5 : memref<24x2048xf32, #tpu.memory_space<vmem>>)
    %add3A_169 = arith.constant 0 : i32
    %add3A_170 = arith.addi %add3A_169, %mul3A_2 : i32
    %add3A_171 = arith.constant 88 : i32
    %add3A_172 = arith.addi %add3A_170, %add3A_171 : i32
    %dma_start3A_173 = arith.constant 0 : i32
    %dma_start3A_174 = tpu.memref_slice %arg3[%add3A_172, %dma_start3A_173] : memref<32768x2048xf32, #tpu.memory_space<hbm>> -> memref<24x2048xf32, #tpu.memory_space<hbm>>
    %dma_start3A_175 = arith.constant 0 : i32
    %dma_start3A_176 = tpu.memref_slice %arg3[%add3A_172, %dma_start3A_175] : memref<32768x2048xf32, #tpu.memory_space<hbm>> -> memref<24x2048xf32, #tpu.memory_space<hbm>>
    tpu.enqueue_dma source(%arg5 : memref<24x2048xf32, #tpu.memory_space<vmem>>) target(%dma_start3A_176 : memref<24x2048xf32, #tpu.memory_space<hbm>>) target_semaphore(%arg9 : memref<!tpu.dma_semaphore, #tpu.memory_space<semaphore_mem>>)
    %add3A_177 = arith.constant 8192 : i32
    %add3A_178 = arith.addi %add3A_177, %mul3A_2 : i32
    %add3A_179 = arith.constant 88 : i32
    %add3A_180 = arith.addi %add3A_178, %add3A_179 : i32
    %dma_start3A_181 = arith.constant 0 : i32
    %dma_start3A_182 = tpu.memref_slice %arg3[%add3A_180, %dma_start3A_181] : memref<32768x2048xf32, #tpu.memory_space<hbm>> -> memref<24x2048xf32, #tpu.memory_space<hbm>>
    %dma_start3A_183 = arith.constant 0 : i32
    %dma_start3A_184 = tpu.memref_slice %arg3[%add3A_180, %dma_start3A_183] : memref<32768x2048xf32, #tpu.memory_space<hbm>> -> memref<24x2048xf32, #tpu.memory_space<hbm>>
    tpu.enqueue_dma source(%arg5 : memref<24x2048xf32, #tpu.memory_space<vmem>>) target(%dma_start3A_184 : memref<24x2048xf32, #tpu.memory_space<hbm>>) target_semaphore(%arg9 : memref<!tpu.dma_semaphore, #tpu.memory_space<semaphore_mem>>)
    %add3A_185 = arith.constant 16384 : i32
    %add3A_186 = arith.addi %add3A_185, %mul3A_2 : i32
    %add3A_187 = arith.constant 88 : i32
    %add3A_188 = arith.addi %add3A_186, %add3A_187 : i32
    %dma_start3A_189 = arith.constant 0 : i32
    %dma_start3A_190 = tpu.memref_slice %arg3[%add3A_188, %dma_start3A_189] : memref<32768x2048xf32, #tpu.memory_space<hbm>> -> memref<24x2048xf32, #tpu.memory_space<hbm>>
    %dma_start3A_191 = arith.constant 0 : i32
    %dma_start3A_192 = tpu.memref_slice %arg3[%add3A_188, %dma_start3A_191] : memref<32768x2048xf32, #tpu.memory_space<hbm>> -> memref<24x2048xf32, #tpu.memory_space<hbm>>
    tpu.enqueue_dma source(%arg5 : memref<24x2048xf32, #tpu.memory_space<vmem>>) target(%dma_start3A_192 : memref<24x2048xf32, #tpu.memory_space<hbm>>) target_semaphore(%arg9 : memref<!tpu.dma_semaphore, #tpu.memory_space<semaphore_mem>>)
    %add3A_193 = arith.constant 24576 : i32
    %add3A_194 = arith.addi %add3A_193, %mul3A_2 : i32
    %add3A_195 = arith.constant 88 : i32
    %add3A_196 = arith.addi %add3A_194, %add3A_195 : i32
    %dma_start3A_197 = arith.constant 0 : i32
    %dma_start3A_198 = tpu.memref_slice %arg3[%add3A_196, %dma_start3A_197] : memref<32768x2048xf32, #tpu.memory_space<hbm>> -> memref<24x2048xf32, #tpu.memory_space<hbm>>
    %dma_start3A_199 = arith.constant 0 : i32
    %dma_start3A_200 = tpu.memref_slice %arg3[%add3A_196, %dma_start3A_199] : memref<32768x2048xf32, #tpu.memory_space<hbm>> -> memref<24x2048xf32, #tpu.memory_space<hbm>>
    tpu.enqueue_dma source(%arg5 : memref<24x2048xf32, #tpu.memory_space<vmem>>) target(%dma_start3A_200 : memref<24x2048xf32, #tpu.memory_space<hbm>>) target_semaphore(%arg9 : memref<!tpu.dma_semaphore, #tpu.memory_space<semaphore_mem>>)
    %dma_wait3A_201 = arith.constant 0 : i32
    %dma_wait3A_202 = tpu.memref_slice %arg3[%add3A_114, %dma_wait3A_201] : memref<32768x2048xf32, #tpu.memory_space<hbm>> -> memref<32x2048xf32, #tpu.memory_space<hbm>>
    %dma_wait3A_203 = arith.constant 0 : i32
    %dma_wait3A_204 = tpu.memref_slice %arg3[%add3A_114, %dma_wait3A_203] : memref<32768x2048xf32, #tpu.memory_space<hbm>> -> memref<32x2048xf32, #tpu.memory_space<hbm>>
    tpu.wait_dma2 semaphore(%arg8 : memref<!tpu.dma_semaphore, #tpu.memory_space<semaphore_mem>>) src(%arg4 : memref<32x2048xf32, #tpu.memory_space<vmem>>) dst(%dma_wait3A_204 : memref<32x2048xf32, #tpu.memory_space<hbm>>)
    %dma_wait3A_205 = arith.constant 0 : i32
    %dma_wait3A_206 = tpu.memref_slice %arg3[%add3A_122, %dma_wait3A_205] : memref<32768x2048xf32, #tpu.memory_space<hbm>> -> memref<32x2048xf32, #tpu.memory_space<hbm>>
    %dma_wait3A_207 = arith.constant 0 : i32
    %dma_wait3A_208 = tpu.memref_slice %arg3[%add3A_122, %dma_wait3A_207] : memref<32768x2048xf32, #tpu.memory_space<hbm>> -> memref<32x2048xf32, #tpu.memory_space<hbm>>
    tpu.wait_dma2 semaphore(%arg8 : memref<!tpu.dma_semaphore, #tpu.memory_space<semaphore_mem>>) src(%arg4 : memref<32x2048xf32, #tpu.memory_space<vmem>>) dst(%dma_wait3A_208 : memref<32x2048xf32, #tpu.memory_space<hbm>>)
    %dma_wait3A_209 = arith.constant 0 : i32
    %dma_wait3A_210 = tpu.memref_slice %arg3[%add3A_130, %dma_wait3A_209] : memref<32768x2048xf32, #tpu.memory_space<hbm>> -> memref<32x2048xf32, #tpu.memory_space<hbm>>
    %dma_wait3A_211 = arith.constant 0 : i32
    %dma_wait3A_212 = tpu.memref_slice %arg3[%add3A_130, %dma_wait3A_211] : memref<32768x2048xf32, #tpu.memory_space<hbm>> -> memref<32x2048xf32, #tpu.memory_space<hbm>>
    tpu.wait_dma2 semaphore(%arg8 : memref<!tpu.dma_semaphore, #tpu.memory_space<semaphore_mem>>) src(%arg4 : memref<32x2048xf32, #tpu.memory_space<vmem>>) dst(%dma_wait3A_212 : memref<32x2048xf32, #tpu.memory_space<hbm>>)
    %dma_wait3A_213 = arith.constant 0 : i32
    %dma_wait3A_214 = tpu.memref_slice %arg3[%add3A_138, %dma_wait3A_213] : memref<32768x2048xf32, #tpu.memory_space<hbm>> -> memref<32x2048xf32, #tpu.memory_space<hbm>>
    %dma_wait3A_215 = arith.constant 0 : i32
    %dma_wait3A_216 = tpu.memref_slice %arg3[%add3A_138, %dma_wait3A_215] : memref<32768x2048xf32, #tpu.memory_space<hbm>> -> memref<32x2048xf32, #tpu.memory_space<hbm>>
    tpu.wait_dma2 semaphore(%arg8 : memref<!tpu.dma_semaphore, #tpu.memory_space<semaphore_mem>>) src(%arg4 : memref<32x2048xf32, #tpu.memory_space<vmem>>) dst(%dma_wait3A_216 : memref<32x2048xf32, #tpu.memory_space<hbm>>)
    %add3A_217 = arith.constant 112 : i32
    %add3A_218 = arith.addi %mul3A_2, %add3A_217 : i32
    %dma_start3A_219 = arith.constant 0 : i32
    %dma_start3A_220 = tpu.memref_slice %arg2[%add3A_218, %dma_start3A_219] : memref<8192x2048xf32, #tpu.memory_space<hbm>> -> memref<32x2048xf32, #tpu.memory_space<hbm>>
    %dma_start3A_221 = arith.constant 0 : i32
    %dma_start3A_222 = tpu.memref_slice %arg2[%add3A_218, %dma_start3A_221] : memref<8192x2048xf32, #tpu.memory_space<hbm>> -> memref<32x2048xf32, #tpu.memory_space<hbm>>
    tpu.enqueue_dma source(%dma_start3A_222 : memref<32x2048xf32, #tpu.memory_space<hbm>>) target(%arg4 : memref<32x2048xf32, #tpu.memory_space<vmem>>) target_semaphore(%arg6 : memref<!tpu.dma_semaphore, #tpu.memory_space<semaphore_mem>>)
    %dma_wait3A_223 = arith.constant 0 : i32
    %dma_wait3A_224 = tpu.memref_slice %arg2[%add3A_218, %dma_wait3A_223] : memref<8192x2048xf32, #tpu.memory_space<hbm>> -> memref<32x2048xf32, #tpu.memory_space<hbm>>
    %dma_wait3A_225 = arith.constant 0 : i32
    %dma_wait3A_226 = tpu.memref_slice %arg2[%add3A_218, %dma_wait3A_225] : memref<8192x2048xf32, #tpu.memory_space<hbm>> -> memref<32x2048xf32, #tpu.memory_space<hbm>>
    tpu.wait_dma2 semaphore(%arg6 : memref<!tpu.dma_semaphore, #tpu.memory_space<semaphore_mem>>) src(%dma_wait3A_226 : memref<32x2048xf32, #tpu.memory_space<hbm>>) dst(%arg4 : memref<32x2048xf32, #tpu.memory_space<vmem>>)
    %add3A_227 = arith.constant 0 : i32
    %add3A_228 = arith.addi %add3A_227, %mul3A_2 : i32
    %add3A_229 = arith.constant 112 : i32
    %add3A_230 = arith.addi %add3A_228, %add3A_229 : i32
    %dma_start3A_231 = arith.constant 0 : i32
    %dma_start3A_232 = tpu.memref_slice %arg3[%add3A_230, %dma_start3A_231] : memref<32768x2048xf32, #tpu.memory_space<hbm>> -> memref<32x2048xf32, #tpu.memory_space<hbm>>
    %dma_start3A_233 = arith.constant 0 : i32
    %dma_start3A_234 = tpu.memref_slice %arg3[%add3A_230, %dma_start3A_233] : memref<32768x2048xf32, #tpu.memory_space<hbm>> -> memref<32x2048xf32, #tpu.memory_space<hbm>>
    tpu.enqueue_dma source(%arg4 : memref<32x2048xf32, #tpu.memory_space<vmem>>) target(%dma_start3A_234 : memref<32x2048xf32, #tpu.memory_space<hbm>>) target_semaphore(%arg8 : memref<!tpu.dma_semaphore, #tpu.memory_space<semaphore_mem>>)
    %add3A_235 = arith.constant 8192 : i32
    %add3A_236 = arith.addi %add3A_235, %mul3A_2 : i32
    %add3A_237 = arith.constant 112 : i32
    %add3A_238 = arith.addi %add3A_236, %add3A_237 : i32
    %dma_start3A_239 = arith.constant 0 : i32
    %dma_start3A_240 = tpu.memref_slice %arg3[%add3A_238, %dma_start3A_239] : memref<32768x2048xf32, #tpu.memory_space<hbm>> -> memref<32x2048xf32, #tpu.memory_space<hbm>>
    %dma_start3A_241 = arith.constant 0 : i32
    %dma_start3A_242 = tpu.memref_slice %arg3[%add3A_238, %dma_start3A_241] : memref<32768x2048xf32, #tpu.memory_space<hbm>> -> memref<32x2048xf32, #tpu.memory_space<hbm>>
    tpu.enqueue_dma source(%arg4 : memref<32x2048xf32, #tpu.memory_space<vmem>>) target(%dma_start3A_242 : memref<32x2048xf32, #tpu.memory_space<hbm>>) target_semaphore(%arg8 : memref<!tpu.dma_semaphore, #tpu.memory_space<semaphore_mem>>)
    %add3A_243 = arith.constant 16384 : i32
    %add3A_244 = arith.addi %add3A_243, %mul3A_2 : i32
    %add3A_245 = arith.constant 112 : i32
    %add3A_246 = arith.addi %add3A_244, %add3A_245 : i32
    %dma_start3A_247 = arith.constant 0 : i32
    %dma_start3A_248 = tpu.memref_slice %arg3[%add3A_246, %dma_start3A_247] : memref<32768x2048xf32, #tpu.memory_space<hbm>> -> memref<32x2048xf32, #tpu.memory_space<hbm>>
    %dma_start3A_249 = arith.constant 0 : i32
    %dma_start3A_250 = tpu.memref_slice %arg3[%add3A_246, %dma_start3A_249] : memref<32768x2048xf32, #tpu.memory_space<hbm>> -> memref<32x2048xf32, #tpu.memory_space<hbm>>
    tpu.enqueue_dma source(%arg4 : memref<32x2048xf32, #tpu.memory_space<vmem>>) target(%dma_start3A_250 : memref<32x2048xf32, #tpu.memory_space<hbm>>) target_semaphore(%arg8 : memref<!tpu.dma_semaphore, #tpu.memory_space<semaphore_mem>>)
    %add3A_251 = arith.constant 24576 : i32
    %add3A_252 = arith.addi %add3A_251, %mul3A_2 : i32
    %add3A_253 = arith.constant 112 : i32
    %add3A_254 = arith.addi %add3A_252, %add3A_253 : i32
    %dma_start3A_255 = arith.constant 0 : i32
    %dma_start3A_256 = tpu.memref_slice %arg3[%add3A_254, %dma_start3A_255] : memref<32768x2048xf32, #tpu.memory_space<hbm>> -> memref<32x2048xf32, #tpu.memory_space<hbm>>
    %dma_start3A_257 = arith.constant 0 : i32
    %dma_start3A_258 = tpu.memref_slice %arg3[%add3A_254, %dma_start3A_257] : memref<32768x2048xf32, #tpu.memory_space<hbm>> -> memref<32x2048xf32, #tpu.memory_space<hbm>>
    tpu.enqueue_dma source(%arg4 : memref<32x2048xf32, #tpu.memory_space<vmem>>) target(%dma_start3A_258 : memref<32x2048xf32, #tpu.memory_space<hbm>>) target_semaphore(%arg8 : memref<!tpu.dma_semaphore, #tpu.memory_space<semaphore_mem>>)
    %dma_wait3A_259 = arith.constant 0 : i32
    %dma_wait3A_260 = tpu.memref_slice %arg3[%add3A_172, %dma_wait3A_259] : memref<32768x2048xf32, #tpu.memory_space<hbm>> -> memref<24x2048xf32, #tpu.memory_space<hbm>>
    %dma_wait3A_261 = arith.constant 0 : i32
    %dma_wait3A_262 = tpu.memref_slice %arg3[%add3A_172, %dma_wait3A_261] : memref<32768x2048xf32, #tpu.memory_space<hbm>> -> memref<24x2048xf32, #tpu.memory_space<hbm>>
    tpu.wait_dma2 semaphore(%arg9 : memref<!tpu.dma_semaphore, #tpu.memory_space<semaphore_mem>>) src(%arg5 : memref<24x2048xf32, #tpu.memory_space<vmem>>) dst(%dma_wait3A_262 : memref<24x2048xf32, #tpu.memory_space<hbm>>)
    %dma_wait3A_263 = arith.constant 0 : i32
    %dma_wait3A_264 = tpu.memref_slice %arg3[%add3A_180, %dma_wait3A_263] : memref<32768x2048xf32, #tpu.memory_space<hbm>> -> memref<24x2048xf32, #tpu.memory_space<hbm>>
    %dma_wait3A_265 = arith.constant 0 : i32
    %dma_wait3A_266 = tpu.memref_slice %arg3[%add3A_180, %dma_wait3A_265] : memref<32768x2048xf32, #tpu.memory_space<hbm>> -> memref<24x2048xf32, #tpu.memory_space<hbm>>
    tpu.wait_dma2 semaphore(%arg9 : memref<!tpu.dma_semaphore, #tpu.memory_space<semaphore_mem>>) src(%arg5 : memref<24x2048xf32, #tpu.memory_space<vmem>>) dst(%dma_wait3A_266 : memref<24x2048xf32, #tpu.memory_space<hbm>>)
    %dma_wait3A_267 = arith.constant 0 : i32
    %dma_wait3A_268 = tpu.memref_slice %arg3[%add3A_188, %dma_wait3A_267] : memref<32768x2048xf32, #tpu.memory_space<hbm>> -> memref<24x2048xf32, #tpu.memory_space<hbm>>
    %dma_wait3A_269 = arith.constant 0 : i32
    %dma_wait3A_270 = tpu.memref_slice %arg3[%add3A_188, %dma_wait3A_269] : memref<32768x2048xf32, #tpu.memory_space<hbm>> -> memref<24x2048xf32, #tpu.memory_space<hbm>>
    tpu.wait_dma2 semaphore(%arg9 : memref<!tpu.dma_semaphore, #tpu.memory_space<semaphore_mem>>) src(%arg5 : memref<24x2048xf32, #tpu.memory_space<vmem>>) dst(%dma_wait3A_270 : memref<24x2048xf32, #tpu.memory_space<hbm>>)
    %dma_wait3A_271 = arith.constant 0 : i32
    %dma_wait3A_272 = tpu.memref_slice %arg3[%add3A_196, %dma_wait3A_271] : memref<32768x2048xf32, #tpu.memory_space<hbm>> -> memref<24x2048xf32, #tpu.memory_space<hbm>>
    %dma_wait3A_273 = arith.constant 0 : i32
    %dma_wait3A_274 = tpu.memref_slice %arg3[%add3A_196, %dma_wait3A_273] : memref<32768x2048xf32, #tpu.memory_space<hbm>> -> memref<24x2048xf32, #tpu.memory_space<hbm>>
    tpu.wait_dma2 semaphore(%arg9 : memref<!tpu.dma_semaphore, #tpu.memory_space<semaphore_mem>>) src(%arg5 : memref<24x2048xf32, #tpu.memory_space<vmem>>) dst(%dma_wait3A_274 : memref<24x2048xf32, #tpu.memory_space<hbm>>)
    %add3A_275 = arith.constant 144 : i32
    %add3A_276 = arith.addi %mul3A_2, %add3A_275 : i32
    %dma_start3A_277 = arith.constant 0 : i32
    %dma_start3A_278 = tpu.memref_slice %arg2[%add3A_276, %dma_start3A_277] : memref<8192x2048xf32, #tpu.memory_space<hbm>> -> memref<24x2048xf32, #tpu.memory_space<hbm>>
    %dma_start3A_279 = arith.constant 0 : i32
    %dma_start3A_280 = tpu.memref_slice %arg2[%add3A_276, %dma_start3A_279] : memref<8192x2048xf32, #tpu.memory_space<hbm>> -> memref<24x2048xf32, #tpu.memory_space<hbm>>
    tpu.enqueue_dma source(%dma_start3A_280 : memref<24x2048xf32, #tpu.memory_space<hbm>>) target(%arg5 : memref<24x2048xf32, #tpu.memory_space<vmem>>) target_semaphore(%arg7 : memref<!tpu.dma_semaphore, #tpu.memory_space<semaphore_mem>>)
    %dma_wait3A_281 = arith.constant 0 : i32
    %dma_wait3A_282 = tpu.memref_slice %arg2[%add3A_276, %dma_wait3A_281] : memref<8192x2048xf32, #tpu.memory_space<hbm>> -> memref<24x2048xf32, #tpu.memory_space<hbm>>
    %dma_wait3A_283 = arith.constant 0 : i32
    %dma_wait3A_284 = tpu.memref_slice %arg2[%add3A_276, %dma_wait3A_283] : memref<8192x2048xf32, #tpu.memory_space<hbm>> -> memref<24x2048xf32, #tpu.memory_space<hbm>>
    tpu.wait_dma2 semaphore(%arg7 : memref<!tpu.dma_semaphore, #tpu.memory_space<semaphore_mem>>) src(%dma_wait3A_284 : memref<24x2048xf32, #tpu.memory_space<hbm>>) dst(%arg5 : memref<24x2048xf32, #tpu.memory_space<vmem>>)
    %add3A_285 = arith.constant 0 : i32
    %add3A_286 = arith.addi %add3A_285, %mul3A_2 : i32
    %add3A_287 = arith.constant 144 : i32
    %add3A_288 = arith.addi %add3A_286, %add3A_287 : i32
    %dma_start3A_289 = arith.constant 0 : i32
    %dma_start3A_290 = tpu.memref_slice %arg3[%add3A_288, %dma_start3A_289] : memref<32768x2048xf32, #tpu.memory_space<hbm>> -> memref<24x2048xf32, #tpu.memory_space<hbm>>
    %dma_start3A_291 = arith.constant 0 : i32
    %dma_start3A_292 = tpu.memref_slice %arg3[%add3A_288, %dma_start3A_291] : memref<32768x2048xf32, #tpu.memory_space<hbm>> -> memref<24x2048xf32, #tpu.memory_space<hbm>>
    tpu.enqueue_dma source(%arg5 : memref<24x2048xf32, #tpu.memory_space<vmem>>) target(%dma_start3A_292 : memref<24x2048xf32, #tpu.memory_space<hbm>>) target_semaphore(%arg9 : memref<!tpu.dma_semaphore, #tpu.memory_space<semaphore_mem>>)
    %add3A_293 = arith.constant 8192 : i32
    %add3A_294 = arith.addi %add3A_293, %mul3A_2 : i32
    %add3A_295 = arith.constant 144 : i32
    %add3A_296 = arith.addi %add3A_294, %add3A_295 : i32
    %dma_start3A_297 = arith.constant 0 : i32
    %dma_start3A_298 = tpu.memref_slice %arg3[%add3A_296, %dma_start3A_297] : memref<32768x2048xf32, #tpu.memory_space<hbm>> -> memref<24x2048xf32, #tpu.memory_space<hbm>>
    %dma_start3A_299 = arith.constant 0 : i32
    %dma_start3A_300 = tpu.memref_slice %arg3[%add3A_296, %dma_start3A_299] : memref<32768x2048xf32, #tpu.memory_space<hbm>> -> memref<24x2048xf32, #tpu.memory_space<hbm>>
    tpu.enqueue_dma source(%arg5 : memref<24x2048xf32, #tpu.memory_space<vmem>>) target(%dma_start3A_300 : memref<24x2048xf32, #tpu.memory_space<hbm>>) target_semaphore(%arg9 : memref<!tpu.dma_semaphore, #tpu.memory_space<semaphore_mem>>)
    %add3A_301 = arith.constant 16384 : i32
    %add3A_302 = arith.addi %add3A_301, %mul3A_2 : i32
    %add3A_303 = arith.constant 144 : i32
    %add3A_304 = arith.addi %add3A_302, %add3A_303 : i32
    %dma_start3A_305 = arith.constant 0 : i32
    %dma_start3A_306 = tpu.memref_slice %arg3[%add3A_304, %dma_start3A_305] : memref<32768x2048xf32, #tpu.memory_space<hbm>> -> memref<24x2048xf32, #tpu.memory_space<hbm>>
    %dma_start3A_307 = arith.constant 0 : i32
    %dma_start3A_308 = tpu.memref_slice %arg3[%add3A_304, %dma_start3A_307] : memref<32768x2048xf32, #tpu.memory_space<hbm>> -> memref<24x2048xf32, #tpu.memory_space<hbm>>
    tpu.enqueue_dma source(%arg5 : memref<24x2048xf32, #tpu.memory_space<vmem>>) target(%dma_start3A_308 : memref<24x2048xf32, #tpu.memory_space<hbm>>) target_semaphore(%arg9 : memref<!tpu.dma_semaphore, #tpu.memory_space<semaphore_mem>>)
    %add3A_309 = arith.constant 24576 : i32
    %add3A_310 = arith.addi %add3A_309, %mul3A_2 : i32
    %add3A_311 = arith.constant 144 : i32
    %add3A_312 = arith.addi %add3A_310, %add3A_311 : i32
    %dma_start3A_313 = arith.constant 0 : i32
    %dma_start3A_314 = tpu.memref_slice %arg3[%add3A_312, %dma_start3A_313] : memref<32768x2048xf32, #tpu.memory_space<hbm>> -> memref<24x2048xf32, #tpu.memory_space<hbm>>
    %dma_start3A_315 = arith.constant 0 : i32
    %dma_start3A_316 = tpu.memref_slice %arg3[%add3A_312, %dma_start3A_315] : memref<32768x2048xf32, #tpu.memory_space<hbm>> -> memref<24x2048xf32, #tpu.memory_space<hbm>>
    tpu.enqueue_dma source(%arg5 : memref<24x2048xf32, #tpu.memory_space<vmem>>) target(%dma_start3A_316 : memref<24x2048xf32, #tpu.memory_space<hbm>>) target_semaphore(%arg9 : memref<!tpu.dma_semaphore, #tpu.memory_space<semaphore_mem>>)
    %dma_wait3A_317 = arith.constant 0 : i32
    %dma_wait3A_318 = tpu.memref_slice %arg3[%add3A_230, %dma_wait3A_317] : memref<32768x2048xf32, #tpu.memory_space<hbm>> -> memref<32x2048xf32, #tpu.memory_space<hbm>>
    %dma_wait3A_319 = arith.constant 0 : i32
    %dma_wait3A_320 = tpu.memref_slice %arg3[%add3A_230, %dma_wait3A_319] : memref<32768x2048xf32, #tpu.memory_space<hbm>> -> memref<32x2048xf32, #tpu.memory_space<hbm>>
    tpu.wait_dma2 semaphore(%arg8 : memref<!tpu.dma_semaphore, #tpu.memory_space<semaphore_mem>>) src(%arg4 : memref<32x2048xf32, #tpu.memory_space<vmem>>) dst(%dma_wait3A_320 : memref<32x2048xf32, #tpu.memory_space<hbm>>)
    %dma_wait3A_321 = arith.constant 0 : i32
    %dma_wait3A_322 = tpu.memref_slice %arg3[%add3A_238, %dma_wait3A_321] : memref<32768x2048xf32, #tpu.memory_space<hbm>> -> memref<32x2048xf32, #tpu.memory_space<hbm>>
    %dma_wait3A_323 = arith.constant 0 : i32
    %dma_wait3A_324 = tpu.memref_slice %arg3[%add3A_238, %dma_wait3A_323] : memref<32768x2048xf32, #tpu.memory_space<hbm>> -> memref<32x2048xf32, #tpu.memory_space<hbm>>
    tpu.wait_dma2 semaphore(%arg8 : memref<!tpu.dma_semaphore, #tpu.memory_space<semaphore_mem>>) src(%arg4 : memref<32x2048xf32, #tpu.memory_space<vmem>>) dst(%dma_wait3A_324 : memref<32x2048xf32, #tpu.memory_space<hbm>>)
    %dma_wait3A_325 = arith.constant 0 : i32
    %dma_wait3A_326 = tpu.memref_slice %arg3[%add3A_246, %dma_wait3A_325] : memref<32768x2048xf32, #tpu.memory_space<hbm>> -> memref<32x2048xf32, #tpu.memory_space<hbm>>
    %dma_wait3A_327 = arith.constant 0 : i32
    %dma_wait3A_328 = tpu.memref_slice %arg3[%add3A_246, %dma_wait3A_327] : memref<32768x2048xf32, #tpu.memory_space<hbm>> -> memref<32x2048xf32, #tpu.memory_space<hbm>>
    tpu.wait_dma2 semaphore(%arg8 : memref<!tpu.dma_semaphore, #tpu.memory_space<semaphore_mem>>) src(%arg4 : memref<32x2048xf32, #tpu.memory_space<vmem>>) dst(%dma_wait3A_328 : memref<32x2048xf32, #tpu.memory_space<hbm>>)
    %dma_wait3A_329 = arith.constant 0 : i32
    %dma_wait3A_330 = tpu.memref_slice %arg3[%add3A_254, %dma_wait3A_329] : memref<32768x2048xf32, #tpu.memory_space<hbm>> -> memref<32x2048xf32, #tpu.memory_space<hbm>>
    %dma_wait3A_331 = arith.constant 0 : i32
    %dma_wait3A_332 = tpu.memref_slice %arg3[%add3A_254, %dma_wait3A_331] : memref<32768x2048xf32, #tpu.memory_space<hbm>> -> memref<32x2048xf32, #tpu.memory_space<hbm>>
    tpu.wait_dma2 semaphore(%arg8 : memref<!tpu.dma_semaphore, #tpu.memory_space<semaphore_mem>>) src(%arg4 : memref<32x2048xf32, #tpu.memory_space<vmem>>) dst(%dma_wait3A_332 : memref<32x2048xf32, #tpu.memory_space<hbm>>)
    %add3A_333 = arith.constant 168 : i32
    %add3A_334 = arith.addi %mul3A_2, %add3A_333 : i32
    %dma_start3A_335 = arith.constant 0 : i32
    %dma_start3A_336 = tpu.memref_slice %arg2[%add3A_334, %dma_start3A_335] : memref<8192x2048xf32, #tpu.memory_space<hbm>> -> memref<32x2048xf32, #tpu.memory_space<hbm>>
    %dma_start3A_337 = arith.constant 0 : i32
    %dma_start3A_338 = tpu.memref_slice %arg2[%add3A_334, %dma_start3A_337] : memref<8192x2048xf32, #tpu.memory_space<hbm>> -> memref<32x2048xf32, #tpu.memory_space<hbm>>
    tpu.enqueue_dma source(%dma_start3A_338 : memref<32x2048xf32, #tpu.memory_space<hbm>>) target(%arg4 : memref<32x2048xf32, #tpu.memory_space<vmem>>) target_semaphore(%arg6 : memref<!tpu.dma_semaphore, #tpu.memory_space<semaphore_mem>>)
    %dma_wait3A_339 = arith.constant 0 : i32
    %dma_wait3A_340 = tpu.memref_slice %arg2[%add3A_334, %dma_wait3A_339] : memref<8192x2048xf32, #tpu.memory_space<hbm>> -> memref<32x2048xf32, #tpu.memory_space<hbm>>
    %dma_wait3A_341 = arith.constant 0 : i32
    %dma_wait3A_342 = tpu.memref_slice %arg2[%add3A_334, %dma_wait3A_341] : memref<8192x2048xf32, #tpu.memory_space<hbm>> -> memref<32x2048xf32, #tpu.memory_space<hbm>>
    tpu.wait_dma2 semaphore(%arg6 : memref<!tpu.dma_semaphore, #tpu.memory_space<semaphore_mem>>) src(%dma_wait3A_342 : memref<32x2048xf32, #tpu.memory_space<hbm>>) dst(%arg4 : memref<32x2048xf32, #tpu.memory_space<vmem>>)
    %add3A_343 = arith.constant 0 : i32
    %add3A_344 = arith.addi %add3A_343, %mul3A_2 : i32
    %add3A_345 = arith.constant 168 : i32
    %add3A_346 = arith.addi %add3A_344, %add3A_345 : i32
    %dma_start3A_347 = arith.constant 0 : i32
    %dma_start3A_348 = tpu.memref_slice %arg3[%add3A_346, %dma_start3A_347] : memref<32768x2048xf32, #tpu.memory_space<hbm>> -> memref<32x2048xf32, #tpu.memory_space<hbm>>
    %dma_start3A_349 = arith.constant 0 : i32
    %dma_start3A_350 = tpu.memref_slice %arg3[%add3A_346, %dma_start3A_349] : memref<32768x2048xf32, #tpu.memory_space<hbm>> -> memref<32x2048xf32, #tpu.memory_space<hbm>>
    tpu.enqueue_dma source(%arg4 : memref<32x2048xf32, #tpu.memory_space<vmem>>) target(%dma_start3A_350 : memref<32x2048xf32, #tpu.memory_space<hbm>>) target_semaphore(%arg8 : memref<!tpu.dma_semaphore, #tpu.memory_space<semaphore_mem>>)
    %add3A_351 = arith.constant 8192 : i32
    %add3A_352 = arith.addi %add3A_351, %mul3A_2 : i32
    %add3A_353 = arith.constant 168 : i32
    %add3A_354 = arith.addi %add3A_352, %add3A_353 : i32
    %dma_start3A_355 = arith.constant 0 : i32
    %dma_start3A_356 = tpu.memref_slice %arg3[%add3A_354, %dma_start3A_355] : memref<32768x2048xf32, #tpu.memory_space<hbm>> -> memref<32x2048xf32, #tpu.memory_space<hbm>>
    %dma_start3A_357 = arith.constant 0 : i32
    %dma_start3A_358 = tpu.memref_slice %arg3[%add3A_354, %dma_start3A_357] : memref<32768x2048xf32, #tpu.memory_space<hbm>> -> memref<32x2048xf32, #tpu.memory_space<hbm>>
    tpu.enqueue_dma source(%arg4 : memref<32x2048xf32, #tpu.memory_space<vmem>>) target(%dma_start3A_358 : memref<32x2048xf32, #tpu.memory_space<hbm>>) target_semaphore(%arg8 : memref<!tpu.dma_semaphore, #tpu.memory_space<semaphore_mem>>)
    %add3A_359 = arith.constant 16384 : i32
    %add3A_360 = arith.addi %add3A_359, %mul3A_2 : i32
    %add3A_361 = arith.constant 168 : i32
    %add3A_362 = arith.addi %add3A_360, %add3A_361 : i32
    %dma_start3A_363 = arith.constant 0 : i32
    %dma_start3A_364 = tpu.memref_slice %arg3[%add3A_362, %dma_start3A_363] : memref<32768x2048xf32, #tpu.memory_space<hbm>> -> memref<32x2048xf32, #tpu.memory_space<hbm>>
    %dma_start3A_365 = arith.constant 0 : i32
    %dma_start3A_366 = tpu.memref_slice %arg3[%add3A_362, %dma_start3A_365] : memref<32768x2048xf32, #tpu.memory_space<hbm>> -> memref<32x2048xf32, #tpu.memory_space<hbm>>
    tpu.enqueue_dma source(%arg4 : memref<32x2048xf32, #tpu.memory_space<vmem>>) target(%dma_start3A_366 : memref<32x2048xf32, #tpu.memory_space<hbm>>) target_semaphore(%arg8 : memref<!tpu.dma_semaphore, #tpu.memory_space<semaphore_mem>>)
    %add3A_367 = arith.constant 24576 : i32
    %add3A_368 = arith.addi %add3A_367, %mul3A_2 : i32
    %add3A_369 = arith.constant 168 : i32
    %add3A_370 = arith.addi %add3A_368, %add3A_369 : i32
    %dma_start3A_371 = arith.constant 0 : i32
    %dma_start3A_372 = tpu.memref_slice %arg3[%add3A_370, %dma_start3A_371] : memref<32768x2048xf32, #tpu.memory_space<hbm>> -> memref<32x2048xf32, #tpu.memory_space<hbm>>
    %dma_start3A_373 = arith.constant 0 : i32
    %dma_start3A_374 = tpu.memref_slice %arg3[%add3A_370, %dma_start3A_373] : memref<32768x2048xf32, #tpu.memory_space<hbm>> -> memref<32x2048xf32, #tpu.memory_space<hbm>>
    tpu.enqueue_dma source(%arg4 : memref<32x2048xf32, #tpu.memory_space<vmem>>) target(%dma_start3A_374 : memref<32x2048xf32, #tpu.memory_space<hbm>>) target_semaphore(%arg8 : memref<!tpu.dma_semaphore, #tpu.memory_space<semaphore_mem>>)
    %dma_wait3A_375 = arith.constant 0 : i32
    %dma_wait3A_376 = tpu.memref_slice %arg3[%add3A_288, %dma_wait3A_375] : memref<32768x2048xf32, #tpu.memory_space<hbm>> -> memref<24x2048xf32, #tpu.memory_space<hbm>>
    %dma_wait3A_377 = arith.constant 0 : i32
    %dma_wait3A_378 = tpu.memref_slice %arg3[%add3A_288, %dma_wait3A_377] : memref<32768x2048xf32, #tpu.memory_space<hbm>> -> memref<24x2048xf32, #tpu.memory_space<hbm>>
    tpu.wait_dma2 semaphore(%arg9 : memref<!tpu.dma_semaphore, #tpu.memory_space<semaphore_mem>>) src(%arg5 : memref<24x2048xf32, #tpu.memory_space<vmem>>) dst(%dma_wait3A_378 : memref<24x2048xf32, #tpu.memory_space<hbm>>)
    %dma_wait3A_379 = arith.constant 0 : i32
    %dma_wait3A_380 = tpu.memref_slice %arg3[%add3A_296, %dma_wait3A_379] : memref<32768x2048xf32, #tpu.memory_space<hbm>> -> memref<24x2048xf32, #tpu.memory_space<hbm>>
    %dma_wait3A_381 = arith.constant 0 : i32
    %dma_wait3A_382 = tpu.memref_slice %arg3[%add3A_296, %dma_wait3A_381] : memref<32768x2048xf32, #tpu.memory_space<hbm>> -> memref<24x2048xf32, #tpu.memory_space<hbm>>
    tpu.wait_dma2 semaphore(%arg9 : memref<!tpu.dma_semaphore, #tpu.memory_space<semaphore_mem>>) src(%arg5 : memref<24x2048xf32, #tpu.memory_space<vmem>>) dst(%dma_wait3A_382 : memref<24x2048xf32, #tpu.memory_space<hbm>>)
    %dma_wait3A_383 = arith.constant 0 : i32
    %dma_wait3A_384 = tpu.memref_slice %arg3[%add3A_304, %dma_wait3A_383] : memref<32768x2048xf32, #tpu.memory_space<hbm>> -> memref<24x2048xf32, #tpu.memory_space<hbm>>
    %dma_wait3A_385 = arith.constant 0 : i32
    %dma_wait3A_386 = tpu.memref_slice %arg3[%add3A_304, %dma_wait3A_385] : memref<32768x2048xf32, #tpu.memory_space<hbm>> -> memref<24x2048xf32, #tpu.memory_space<hbm>>
    tpu.wait_dma2 semaphore(%arg9 : memref<!tpu.dma_semaphore, #tpu.memory_space<semaphore_mem>>) src(%arg5 : memref<24x2048xf32, #tpu.memory_space<vmem>>) dst(%dma_wait3A_386 : memref<24x2048xf32, #tpu.memory_space<hbm>>)
    %dma_wait3A_387 = arith.constant 0 : i32
    %dma_wait3A_388 = tpu.memref_slice %arg3[%add3A_312, %dma_wait3A_387] : memref<32768x2048xf32, #tpu.memory_space<hbm>> -> memref<24x2048xf32, #tpu.memory_space<hbm>>
    %dma_wait3A_389 = arith.constant 0 : i32
    %dma_wait3A_390 = tpu.memref_slice %arg3[%add3A_312, %dma_wait3A_389] : memref<32768x2048xf32, #tpu.memory_space<hbm>> -> memref<24x2048xf32, #tpu.memory_space<hbm>>
    tpu.wait_dma2 semaphore(%arg9 : memref<!tpu.dma_semaphore, #tpu.memory_space<semaphore_mem>>) src(%arg5 : memref<24x2048xf32, #tpu.memory_space<vmem>>) dst(%dma_wait3A_390 : memref<24x2048xf32, #tpu.memory_space<hbm>>)
    %add3A_391 = arith.constant 200 : i32
    %add3A_392 = arith.addi %mul3A_2, %add3A_391 : i32
    %dma_start3A_393 = arith.constant 0 : i32
    %dma_start3A_394 = tpu.memref_slice %arg2[%add3A_392, %dma_start3A_393] : memref<8192x2048xf32, #tpu.memory_space<hbm>> -> memref<24x2048xf32, #tpu.memory_space<hbm>>
    %dma_start3A_395 = arith.constant 0 : i32
    %dma_start3A_396 = tpu.memref_slice %arg2[%add3A_392, %dma_start3A_395] : memref<8192x2048xf32, #tpu.memory_space<hbm>> -> memref<24x2048xf32, #tpu.memory_space<hbm>>
    tpu.enqueue_dma source(%dma_start3A_396 : memref<24x2048xf32, #tpu.memory_space<hbm>>) target(%arg5 : memref<24x2048xf32, #tpu.memory_space<vmem>>) target_semaphore(%arg7 : memref<!tpu.dma_semaphore, #tpu.memory_space<semaphore_mem>>)
    %dma_wait3A_397 = arith.constant 0 : i32
    %dma_wait3A_398 = tpu.memref_slice %arg2[%add3A_392, %dma_wait3A_397] : memref<8192x2048xf32, #tpu.memory_space<hbm>> -> memref<24x2048xf32, #tpu.memory_space<hbm>>
    %dma_wait3A_399 = arith.constant 0 : i32
    %dma_wait3A_400 = tpu.memref_slice %arg2[%add3A_392, %dma_wait3A_399] : memref<8192x2048xf32, #tpu.memory_space<hbm>> -> memref<24x2048xf32, #tpu.memory_space<hbm>>
    tpu.wait_dma2 semaphore(%arg7 : memref<!tpu.dma_semaphore, #tpu.memory_space<semaphore_mem>>) src(%dma_wait3A_400 : memref<24x2048xf32, #tpu.memory_space<hbm>>) dst(%arg5 : memref<24x2048xf32, #tpu.memory_space<vmem>>)
    %add3A_401 = arith.constant 0 : i32
    %add3A_402 = arith.addi %add3A_401, %mul3A_2 : i32
    %add3A_403 = arith.constant 200 : i32
    %add3A_404 = arith.addi %add3A_402, %add3A_403 : i32
    %dma_start3A_405 = arith.constant 0 : i32
    %dma_start3A_406 = tpu.memref_slice %arg3[%add3A_404, %dma_start3A_405] : memref<32768x2048xf32, #tpu.memory_space<hbm>> -> memref<24x2048xf32, #tpu.memory_space<hbm>>
    %dma_start3A_407 = arith.constant 0 : i32
    %dma_start3A_408 = tpu.memref_slice %arg3[%add3A_404, %dma_start3A_407] : memref<32768x2048xf32, #tpu.memory_space<hbm>> -> memref<24x2048xf32, #tpu.memory_space<hbm>>
    tpu.enqueue_dma source(%arg5 : memref<24x2048xf32, #tpu.memory_space<vmem>>) target(%dma_start3A_408 : memref<24x2048xf32, #tpu.memory_space<hbm>>) target_semaphore(%arg9 : memref<!tpu.dma_semaphore, #tpu.memory_space<semaphore_mem>>)
    %add3A_409 = arith.constant 8192 : i32
    %add3A_410 = arith.addi %add3A_409, %mul3A_2 : i32
    %add3A_411 = arith.constant 200 : i32
    %add3A_412 = arith.addi %add3A_410, %add3A_411 : i32
    %dma_start3A_413 = arith.constant 0 : i32
    %dma_start3A_414 = tpu.memref_slice %arg3[%add3A_412, %dma_start3A_413] : memref<32768x2048xf32, #tpu.memory_space<hbm>> -> memref<24x2048xf32, #tpu.memory_space<hbm>>
    %dma_start3A_415 = arith.constant 0 : i32
    %dma_start3A_416 = tpu.memref_slice %arg3[%add3A_412, %dma_start3A_415] : memref<32768x2048xf32, #tpu.memory_space<hbm>> -> memref<24x2048xf32, #tpu.memory_space<hbm>>
    tpu.enqueue_dma source(%arg5 : memref<24x2048xf32, #tpu.memory_space<vmem>>) target(%dma_start3A_416 : memref<24x2048xf32, #tpu.memory_space<hbm>>) target_semaphore(%arg9 : memref<!tpu.dma_semaphore, #tpu.memory_space<semaphore_mem>>)
    %add3A_417 = arith.constant 16384 : i32
    %add3A_418 = arith.addi %add3A_417, %mul3A_2 : i32
    %add3A_419 = arith.constant 200 : i32
    %add3A_420 = arith.addi %add3A_418, %add3A_419 : i32
    %dma_start3A_421 = arith.constant 0 : i32
    %dma_start3A_422 = tpu.memref_slice %arg3[%add3A_420, %dma_start3A_421] : memref<32768x2048xf32, #tpu.memory_space<hbm>> -> memref<24x2048xf32, #tpu.memory_space<hbm>>
    %dma_start3A_423 = arith.constant 0 : i32
    %dma_start3A_424 = tpu.memref_slice %arg3[%add3A_420, %dma_start3A_423] : memref<32768x2048xf32, #tpu.memory_space<hbm>> -> memref<24x2048xf32, #tpu.memory_space<hbm>>
    tpu.enqueue_dma source(%arg5 : memref<24x2048xf32, #tpu.memory_space<vmem>>) target(%dma_start3A_424 : memref<24x2048xf32, #tpu.memory_space<hbm>>) target_semaphore(%arg9 : memref<!tpu.dma_semaphore, #tpu.memory_space<semaphore_mem>>)
    %add3A_425 = arith.constant 24576 : i32
    %add3A_426 = arith.addi %add3A_425, %mul3A_2 : i32
    %add3A_427 = arith.constant 200 : i32
    %add3A_428 = arith.addi %add3A_426, %add3A_427 : i32
    %dma_start3A_429 = arith.constant 0 : i32
    %dma_start3A_430 = tpu.memref_slice %arg3[%add3A_428, %dma_start3A_429] : memref<32768x2048xf32, #tpu.memory_space<hbm>> -> memref<24x2048xf32, #tpu.memory_space<hbm>>
    %dma_start3A_431 = arith.constant 0 : i32
    %dma_start3A_432 = tpu.memref_slice %arg3[%add3A_428, %dma_start3A_431] : memref<32768x2048xf32, #tpu.memory_space<hbm>> -> memref<24x2048xf32, #tpu.memory_space<hbm>>
    tpu.enqueue_dma source(%arg5 : memref<24x2048xf32, #tpu.memory_space<vmem>>) target(%dma_start3A_432 : memref<24x2048xf32, #tpu.memory_space<hbm>>) target_semaphore(%arg9 : memref<!tpu.dma_semaphore, #tpu.memory_space<semaphore_mem>>)
    %dma_wait3A_433 = arith.constant 0 : i32
    %dma_wait3A_434 = tpu.memref_slice %arg3[%add3A_346, %dma_wait3A_433] : memref<32768x2048xf32, #tpu.memory_space<hbm>> -> memref<32x2048xf32, #tpu.memory_space<hbm>>
    %dma_wait3A_435 = arith.constant 0 : i32
    %dma_wait3A_436 = tpu.memref_slice %arg3[%add3A_346, %dma_wait3A_435] : memref<32768x2048xf32, #tpu.memory_space<hbm>> -> memref<32x2048xf32, #tpu.memory_space<hbm>>
    tpu.wait_dma2 semaphore(%arg8 : memref<!tpu.dma_semaphore, #tpu.memory_space<semaphore_mem>>) src(%arg4 : memref<32x2048xf32, #tpu.memory_space<vmem>>) dst(%dma_wait3A_436 : memref<32x2048xf32, #tpu.memory_space<hbm>>)
    %dma_wait3A_437 = arith.constant 0 : i32
    %dma_wait3A_438 = tpu.memref_slice %arg3[%add3A_354, %dma_wait3A_437] : memref<32768x2048xf32, #tpu.memory_space<hbm>> -> memref<32x2048xf32, #tpu.memory_space<hbm>>
    %dma_wait3A_439 = arith.constant 0 : i32
    %dma_wait3A_440 = tpu.memref_slice %arg3[%add3A_354, %dma_wait3A_439] : memref<32768x2048xf32, #tpu.memory_space<hbm>> -> memref<32x2048xf32, #tpu.memory_space<hbm>>
    tpu.wait_dma2 semaphore(%arg8 : memref<!tpu.dma_semaphore, #tpu.memory_space<semaphore_mem>>) src(%arg4 : memref<32x2048xf32, #tpu.memory_space<vmem>>) dst(%dma_wait3A_440 : memref<32x2048xf32, #tpu.memory_space<hbm>>)
    %dma_wait3A_441 = arith.constant 0 : i32
    %dma_wait3A_442 = tpu.memref_slice %arg3[%add3A_362, %dma_wait3A_441] : memref<32768x2048xf32, #tpu.memory_space<hbm>> -> memref<32x2048xf32, #tpu.memory_space<hbm>>
    %dma_wait3A_443 = arith.constant 0 : i32
    %dma_wait3A_444 = tpu.memref_slice %arg3[%add3A_362, %dma_wait3A_443] : memref<32768x2048xf32, #tpu.memory_space<hbm>> -> memref<32x2048xf32, #tpu.memory_space<hbm>>
    tpu.wait_dma2 semaphore(%arg8 : memref<!tpu.dma_semaphore, #tpu.memory_space<semaphore_mem>>) src(%arg4 : memref<32x2048xf32, #tpu.memory_space<vmem>>) dst(%dma_wait3A_444 : memref<32x2048xf32, #tpu.memory_space<hbm>>)
    %dma_wait3A_445 = arith.constant 0 : i32
    %dma_wait3A_446 = tpu.memref_slice %arg3[%add3A_370, %dma_wait3A_445] : memref<32768x2048xf32, #tpu.memory_space<hbm>> -> memref<32x2048xf32, #tpu.memory_space<hbm>>
    %dma_wait3A_447 = arith.constant 0 : i32
    %dma_wait3A_448 = tpu.memref_slice %arg3[%add3A_370, %dma_wait3A_447] : memref<32768x2048xf32, #tpu.memory_space<hbm>> -> memref<32x2048xf32, #tpu.memory_space<hbm>>
    tpu.wait_dma2 semaphore(%arg8 : memref<!tpu.dma_semaphore, #tpu.memory_space<semaphore_mem>>) src(%arg4 : memref<32x2048xf32, #tpu.memory_space<vmem>>) dst(%dma_wait3A_448 : memref<32x2048xf32, #tpu.memory_space<hbm>>)
    %add3A_449 = arith.constant 224 : i32
    %add3A_450 = arith.addi %mul3A_2, %add3A_449 : i32
    %dma_start3A_451 = arith.constant 0 : i32
    %dma_start3A_452 = tpu.memref_slice %arg2[%add3A_450, %dma_start3A_451] : memref<8192x2048xf32, #tpu.memory_space<hbm>> -> memref<32x2048xf32, #tpu.memory_space<hbm>>
    %dma_start3A_453 = arith.constant 0 : i32
    %dma_start3A_454 = tpu.memref_slice %arg2[%add3A_450, %dma_start3A_453] : memref<8192x2048xf32, #tpu.memory_space<hbm>> -> memref<32x2048xf32, #tpu.memory_space<hbm>>
    tpu.enqueue_dma source(%dma_start3A_454 : memref<32x2048xf32, #tpu.memory_space<hbm>>) target(%arg4 : memref<32x2048xf32, #tpu.memory_space<vmem>>) target_semaphore(%arg6 : memref<!tpu.dma_semaphore, #tpu.memory_space<semaphore_mem>>)
    %dma_wait3A_455 = arith.constant 0 : i32
    %dma_wait3A_456 = tpu.memref_slice %arg2[%add3A_450, %dma_wait3A_455] : memref<8192x2048xf32, #tpu.memory_space<hbm>> -> memref<32x2048xf32, #tpu.memory_space<hbm>>
    %dma_wait3A_457 = arith.constant 0 : i32
    %dma_wait3A_458 = tpu.memref_slice %arg2[%add3A_450, %dma_wait3A_457] : memref<8192x2048xf32, #tpu.memory_space<hbm>> -> memref<32x2048xf32, #tpu.memory_space<hbm>>
    tpu.wait_dma2 semaphore(%arg6 : memref<!tpu.dma_semaphore, #tpu.memory_space<semaphore_mem>>) src(%dma_wait3A_458 : memref<32x2048xf32, #tpu.memory_space<hbm>>) dst(%arg4 : memref<32x2048xf32, #tpu.memory_space<vmem>>)
    %add3A_459 = arith.constant 0 : i32
    %add3A_460 = arith.addi %add3A_459, %mul3A_2 : i32
    %add3A_461 = arith.constant 224 : i32
    %add3A_462 = arith.addi %add3A_460, %add3A_461 : i32
    %dma_start3A_463 = arith.constant 0 : i32
    %dma_start3A_464 = tpu.memref_slice %arg3[%add3A_462, %dma_start3A_463] : memref<32768x2048xf32, #tpu.memory_space<hbm>> -> memref<32x2048xf32, #tpu.memory_space<hbm>>
    %dma_start3A_465 = arith.constant 0 : i32
    %dma_start3A_466 = tpu.memref_slice %arg3[%add3A_462, %dma_start3A_465] : memref<32768x2048xf32, #tpu.memory_space<hbm>> -> memref<32x2048xf32, #tpu.memory_space<hbm>>
    tpu.enqueue_dma source(%arg4 : memref<32x2048xf32, #tpu.memory_space<vmem>>) target(%dma_start3A_466 : memref<32x2048xf32, #tpu.memory_space<hbm>>) target_semaphore(%arg8 : memref<!tpu.dma_semaphore, #tpu.memory_space<semaphore_mem>>)
    %add3A_467 = arith.constant 8192 : i32
    %add3A_468 = arith.addi %add3A_467, %mul3A_2 : i32
    %add3A_469 = arith.constant 224 : i32
    %add3A_470 = arith.addi %add3A_468, %add3A_469 : i32
    %dma_start3A_471 = arith.constant 0 : i32
    %dma_start3A_472 = tpu.memref_slice %arg3[%add3A_470, %dma_start3A_471] : memref<32768x2048xf32, #tpu.memory_space<hbm>> -> memref<32x2048xf32, #tpu.memory_space<hbm>>
    %dma_start3A_473 = arith.constant 0 : i32
    %dma_start3A_474 = tpu.memref_slice %arg3[%add3A_470, %dma_start3A_473] : memref<32768x2048xf32, #tpu.memory_space<hbm>> -> memref<32x2048xf32, #tpu.memory_space<hbm>>
    tpu.enqueue_dma source(%arg4 : memref<32x2048xf32, #tpu.memory_space<vmem>>) target(%dma_start3A_474 : memref<32x2048xf32, #tpu.memory_space<hbm>>) target_semaphore(%arg8 : memref<!tpu.dma_semaphore, #tpu.memory_space<semaphore_mem>>)
    %add3A_475 = arith.constant 16384 : i32
    %add3A_476 = arith.addi %add3A_475, %mul3A_2 : i32
    %add3A_477 = arith.constant 224 : i32
    %add3A_478 = arith.addi %add3A_476, %add3A_477 : i32
    %dma_start3A_479 = arith.constant 0 : i32
    %dma_start3A_480 = tpu.memref_slice %arg3[%add3A_478, %dma_start3A_479] : memref<32768x2048xf32, #tpu.memory_space<hbm>> -> memref<32x2048xf32, #tpu.memory_space<hbm>>
    %dma_start3A_481 = arith.constant 0 : i32
    %dma_start3A_482 = tpu.memref_slice %arg3[%add3A_478, %dma_start3A_481] : memref<32768x2048xf32, #tpu.memory_space<hbm>> -> memref<32x2048xf32, #tpu.memory_space<hbm>>
    tpu.enqueue_dma source(%arg4 : memref<32x2048xf32, #tpu.memory_space<vmem>>) target(%dma_start3A_482 : memref<32x2048xf32, #tpu.memory_space<hbm>>) target_semaphore(%arg8 : memref<!tpu.dma_semaphore, #tpu.memory_space<semaphore_mem>>)
    %add3A_483 = arith.constant 24576 : i32
    %add3A_484 = arith.addi %add3A_483, %mul3A_2 : i32
    %add3A_485 = arith.constant 224 : i32
    %add3A_486 = arith.addi %add3A_484, %add3A_485 : i32
    %dma_start3A_487 = arith.constant 0 : i32
    %dma_start3A_488 = tpu.memref_slice %arg3[%add3A_486, %dma_start3A_487] : memref<32768x2048xf32, #tpu.memory_space<hbm>> -> memref<32x2048xf32, #tpu.memory_space<hbm>>
    %dma_start3A_489 = arith.constant 0 : i32
    %dma_start3A_490 = tpu.memref_slice %arg3[%add3A_486, %dma_start3A_489] : memref<32768x2048xf32, #tpu.memory_space<hbm>> -> memref<32x2048xf32, #tpu.memory_space<hbm>>
    tpu.enqueue_dma source(%arg4 : memref<32x2048xf32, #tpu.memory_space<vmem>>) target(%dma_start3A_490 : memref<32x2048xf32, #tpu.memory_space<hbm>>) target_semaphore(%arg8 : memref<!tpu.dma_semaphore, #tpu.memory_space<semaphore_mem>>)
    %dma_wait3A_491 = arith.constant 0 : i32
    %dma_wait3A_492 = tpu.memref_slice %arg3[%add3A_404, %dma_wait3A_491] : memref<32768x2048xf32, #tpu.memory_space<hbm>> -> memref<24x2048xf32, #tpu.memory_space<hbm>>
    %dma_wait3A_493 = arith.constant 0 : i32
    %dma_wait3A_494 = tpu.memref_slice %arg3[%add3A_404, %dma_wait3A_493] : memref<32768x2048xf32, #tpu.memory_space<hbm>> -> memref<24x2048xf32, #tpu.memory_space<hbm>>
    tpu.wait_dma2 semaphore(%arg9 : memref<!tpu.dma_semaphore, #tpu.memory_space<semaphore_mem>>) src(%arg5 : memref<24x2048xf32, #tpu.memory_space<vmem>>) dst(%dma_wait3A_494 : memref<24x2048xf32, #tpu.memory_space<hbm>>)
    %dma_wait3A_495 = arith.constant 0 : i32
    %dma_wait3A_496 = tpu.memref_slice %arg3[%add3A_412, %dma_wait3A_495] : memref<32768x2048xf32, #tpu.memory_space<hbm>> -> memref<24x2048xf32, #tpu.memory_space<hbm>>
    %dma_wait3A_497 = arith.constant 0 : i32
    %dma_wait3A_498 = tpu.memref_slice %arg3[%add3A_412, %dma_wait3A_497] : memref<32768x2048xf32, #tpu.memory_space<hbm>> -> memref<24x2048xf32, #tpu.memory_space<hbm>>
    tpu.wait_dma2 semaphore(%arg9 : memref<!tpu.dma_semaphore, #tpu.memory_space<semaphore_mem>>) src(%arg5 : memref<24x2048xf32, #tpu.memory_space<vmem>>) dst(%dma_wait3A_498 : memref<24x2048xf32, #tpu.memory_space<hbm>>)
    %dma_wait3A_499 = arith.constant 0 : i32
    %dma_wait3A_500 = tpu.memref_slice %arg3[%add3A_420, %dma_wait3A_499] : memref<32768x2048xf32, #tpu.memory_space<hbm>> -> memref<24x2048xf32, #tpu.memory_space<hbm>>
    %dma_wait3A_501 = arith.constant 0 : i32
    %dma_wait3A_502 = tpu.memref_slice %arg3[%add3A_420, %dma_wait3A_501] : memref<32768x2048xf32, #tpu.memory_space<hbm>> -> memref<24x2048xf32, #tpu.memory_space<hbm>>
    tpu.wait_dma2 semaphore(%arg9 : memref<!tpu.dma_semaphore, #tpu.memory_space<semaphore_mem>>) src(%arg5 : memref<24x2048xf32, #tpu.memory_space<vmem>>) dst(%dma_wait3A_502 : memref<24x2048xf32, #tpu.memory_space<hbm>>)
    %dma_wait3A_503 = arith.constant 0 : i32
    %dma_wait3A_504 = tpu.memref_slice %arg3[%add3A_428, %dma_wait3A_503] : memref<32768x2048xf32, #tpu.memory_space<hbm>> -> memref<24x2048xf32, #tpu.memory_space<hbm>>
    %dma_wait3A_505 = arith.constant 0 : i32
    %dma_wait3A_506 = tpu.memref_slice %arg3[%add3A_428, %dma_wait3A_505] : memref<32768x2048xf32, #tpu.memory_space<hbm>> -> memref<24x2048xf32, #tpu.memory_space<hbm>>
    tpu.wait_dma2 semaphore(%arg9 : memref<!tpu.dma_semaphore, #tpu.memory_space<semaphore_mem>>) src(%arg5 : memref<24x2048xf32, #tpu.memory_space<vmem>>) dst(%dma_wait3A_506 : memref<24x2048xf32, #tpu.memory_space<hbm>>)
    %dma_wait3A_507 = arith.constant 0 : i32
    %dma_wait3A_508 = tpu.memref_slice %arg3[%add3A_462, %dma_wait3A_507] : memref<32768x2048xf32, #tpu.memory_space<hbm>> -> memref<32x2048xf32, #tpu.memory_space<hbm>>
    %dma_wait3A_509 = arith.constant 0 : i32
    %dma_wait3A_510 = tpu.memref_slice %arg3[%add3A_462, %dma_wait3A_509] : memref<32768x2048xf32, #tpu.memory_space<hbm>> -> memref<32x2048xf32, #tpu.memory_space<hbm>>
    tpu.wait_dma2 semaphore(%arg8 : memref<!tpu.dma_semaphore, #tpu.memory_space<semaphore_mem>>) src(%arg4 : memref<32x2048xf32, #tpu.memory_space<vmem>>) dst(%dma_wait3A_510 : memref<32x2048xf32, #tpu.memory_space<hbm>>)
    %dma_wait3A_511 = arith.constant 0 : i32
    %dma_wait3A_512 = tpu.memref_slice %arg3[%add3A_470, %dma_wait3A_511] : memref<32768x2048xf32, #tpu.memory_space<hbm>> -> memref<32x2048xf32, #tpu.memory_space<hbm>>
    %dma_wait3A_513 = arith.constant 0 : i32
    %dma_wait3A_514 = tpu.memref_slice %arg3[%add3A_470, %dma_wait3A_513] : memref<32768x2048xf32, #tpu.memory_space<hbm>> -> memref<32x2048xf32, #tpu.memory_space<hbm>>
    tpu.wait_dma2 semaphore(%arg8 : memref<!tpu.dma_semaphore, #tpu.memory_space<semaphore_mem>>) src(%arg4 : memref<32x2048xf32, #tpu.memory_space<vmem>>) dst(%dma_wait3A_514 : memref<32x2048xf32, #tpu.memory_space<hbm>>)
    %dma_wait3A_515 = arith.constant 0 : i32
    %dma_wait3A_516 = tpu.memref_slice %arg3[%add3A_478, %dma_wait3A_515] : memref<32768x2048xf32, #tpu.memory_space<hbm>> -> memref<32x2048xf32, #tpu.memory_space<hbm>>
    %dma_wait3A_517 = arith.constant 0 : i32
    %dma_wait3A_518 = tpu.memref_slice %arg3[%add3A_478, %dma_wait3A_517] : memref<32768x2048xf32, #tpu.memory_space<hbm>> -> memref<32x2048xf32, #tpu.memory_space<hbm>>
    tpu.wait_dma2 semaphore(%arg8 : memref<!tpu.dma_semaphore, #tpu.memory_space<semaphore_mem>>) src(%arg4 : memref<32x2048xf32, #tpu.memory_space<vmem>>) dst(%dma_wait3A_518 : memref<32x2048xf32, #tpu.memory_space<hbm>>)
    %dma_wait3A_519 = arith.constant 0 : i32
    %dma_wait3A_520 = tpu.memref_slice %arg3[%add3A_486, %dma_wait3A_519] : memref<32768x2048xf32, #tpu.memory_space<hbm>> -> memref<32x2048xf32, #tpu.memory_space<hbm>>
    %dma_wait3A_521 = arith.constant 0 : i32
    %dma_wait3A_522 = tpu.memref_slice %arg3[%add3A_486, %dma_wait3A_521] : memref<32768x2048xf32, #tpu.memory_space<hbm>> -> memref<32x2048xf32, #tpu.memory_space<hbm>>
    tpu.wait_dma2 semaphore(%arg8 : memref<!tpu.dma_semaphore, #tpu.memory_space<semaphore_mem>>) src(%arg4 : memref<32x2048xf32, #tpu.memory_space<vmem>>) dst(%dma_wait3A_522 : memref<32x2048xf32, #tpu.memory_space<hbm>>)
    return
  }
}

</mosaic_0001>

<sc_bundles>
// kernel: kernel.3.cloned.1.call-start
scs
__scs_entry_jumppad:
0x0: {  	(pc) =	sbr.rel $0x88, $3  }
0x1: {  	(tag) =	ssettag $0x0;
	lr =	simm.s32 $0x1  }
0x2: {  	[smem:$0x3FA0] =	sst lr;
	_ =	strace $0xD0000000  }
0x3: {  	_ = 	snop  }
0x4: {  	_ = 	snop  }
0x5: {  	_ = 	snop  }
0x6: {  	_ = 	snop  }
0x7: {  	_ = 	snop  }
__scs_overlays_trampoline_lowered:
0x8: {  	[smem:$0x3FAF] =	sst s0  }
0x9: {  	[smem:$0x3FB0] =	sst s1  }
0xa: {  	[smem:$0x3FB1] =	sst s2  }
0xb: {  	[smem:$0x3FB2] =	sst s3  }
0xc: {  	[smem:$0x3FB3] =	sst s4  }
0xd: {  	[smem:$0x3FB4] =	sst s5  }
0xe: {  	[smem:$0x3FB5] =	sst s6  }
0xf: {  	[smem:$0x3FB6] =	sst s7  }
0x10: {  	[smem:$0x3FB7] =	sst s8  }
0x11: {  	[smem:$0x3FB8] =	sst s9;
	s0 =	simm.s32 @!p0 $0x0  }
0x12: {  	s1 =	sld [smem:$0x3F9E];
	s0 =	simm.s32 @p0 $0x1  }
0x13: {  	[smem:$0x3FB9] =	sst s0;
	s0 =	simm.s32 @!p1 $0x0  }
0x14: {  	s2 =	sld [smem:$0x3F9D];
	s0 =	simm.s32 @p1 $0x1  }
0x15: {  	[smem:$0x3FBA] =	sst s0;
	s0 =	simm.s32 @!p2 $0x0  }
0x16: {  	s3 =	sld [smem:$0x3FDB];
	s0 =	simm.s32 @p2 $0x1  }
0x17: {  	s4 =	simm.s32 $0x1BF5;
	[smem:$0x3FBC] =	sst s0  }
0x18: {  	s0 =	sld [smem:$0x3F9F];
	_ =	swait.ge [sflag:s4], $0x0  }
0x19: {  	s7 =	sld [smem:$0x3FA0]  }
0x1a: {  	s8 =	sadd.s32 $0xFFFFE003, lr  }
0x1b: {  	s9 =	sadd.s32 $0xFFFFFEF7, lr;
	s5 =	simm.s32 $0xFFFFFFFF;
	p2 =	slt.u32 s8, $0xFFFFF086  }
0x1c: {  	p1 =	slt.u32 s9, $0xF7A;
	s5 =	simm.s32 @!p2 $0x0  }
0x1d: {  	s5 =	simm.s32 @p1 $0x1;
	p0 =	seq.s32 s7, s2  }
0x1e: {  	s7 =	smul.u32 @!p0 $0xF7A, s2;
	p2 =	seq.s32 @!p0 s5, $0x0  }
0x1f: {  	s9 =	smul.u32 $0xF7A, s1;
	s8 =	simm.s32 @!p0 $0x1BF5;
	p2 =	por !p2, p0  }
0x20: {  	[sflag:s8] =	ssyncset.s32 @!p0 $0xFFFFF086;
	s6 =	sadd.s32 @!p0 s3, s7;
	s7 =	simm.s32 @!p0 $0x108  }
0x21: {  	s3 =	sadd.s32 s3, s9;
	s6 =	sadd.s32 @!p0 $0x88, s6;
	s7 =	simm.s32 @p2 $0x1082  }
0x22: {  	[simem:s7], [sflag:s8] =	dma.local @!p0 [hbm:s6], $0xF7A  }
0x23: {  	s9 =	sor.u32 $0xD0000000, s2;
	s6 =	simm.s32 $0x108;
	_ =	swait.ge @!p0 [sflag:s8], $0x0  }
0x24: {  	s3 =	sadd.s32 $0x88, s3;
	s6 =	simm.s32 @!p1 $0x1082;
	[sflag:s4] =	ssyncset.s32 $0xFFFFF086  }
0x25: {  	[simem:s6], [sflag:s4] =	dma.local [hbm:s3], $0xF7A  }
0x26: {  	[smem:$0x3FA0] =	sst s1;
	(tag) =	ssettag s2;
	_ =	strace s9  }
0x27: {  	s1 =	sld [smem:$0x3FB0]  }
0x28: {  	s2 =	sld [smem:$0x3FB1]  }
0x29: {  	s4 =	sld [smem:$0x3FB3]  }
0x2a: {  	p0 =	seq.s32 s5, $0x0;
	s5 =	sld [smem:$0x3FB4]  }
0x2b: {  	s6 =	sld [smem:$0x3FB5]  }
0x2c: {  	s7 =	sld [smem:$0x3FB6]  }
0x2d: {  	s3 =	simm.s32 $0x108;
	s8 =	sld [smem:$0x3FB7]  }
0x2e: {  	s3 =	simm.s32 @!p0 $0x1082;
	s9 =	sld [smem:$0x3FB8]  }
0x2f: {  	lr =	sadd.s32 s0, s3;
	s0 =	sld [smem:$0x3FAF]  }
0x30: {  	s3 =	sld [smem:$0x3FB2]  }
0x31: {  	[smem:$0x3FBB] =	sst s10  }
0x32: {  	s10 =	sld [smem:$0x3FB9];
	_ =	sdelay $0x3  }
0x33: {  	p0 =	seq.s32 s10, $0x1;
	s10 =	sld [smem:$0x3FBB];
	_ =	sdelay $0x3  }
0x34: {  	[smem:$0x3FBB] =	sst s10  }
0x35: {  	s10 =	sld [smem:$0x3FBA];
	_ =	sdelay $0x3  }
0x36: {  	p1 =	seq.s32 s10, $0x1;
	s10 =	sld [smem:$0x3FBB];
	_ =	sdelay $0x3  }
0x37: {  	[smem:$0x3FBB] =	sst s10  }
0x38: {  	s10 =	sld [smem:$0x3FBC]  }
0x39: {  	_ = 	snop;
	(pc) =	sbr.ind lr, $3  }
0x3a: {  	_ = 	snop  }
0x3b: {  	_ = 	snop  }
0x3c: {  	p2 =	seq.s32 s10, $0x1;
	s10 =	sld [smem:$0x3FBB]  }
0x3d: {  	_ =	shalt  }
0x3e: {  	_ =	shalt  }
0x3f: {  	_ =	shalt  }
0x40: {  	_ =	shalt  }
0x41: {  	_ =	shalt  }
0x42: {  	_ =	shalt  }
0x43: {  	_ =	shalt  }
0x44: {  	_ =	shalt  }
0x45: {  	_ =	shalt  }
0x46: {  	_ =	shalt  }
0x47: {  	_ =	shalt  }
0x48: {  	_ =	shalt  }
0x49: {  	_ =	shalt  }
0x4a: {  	_ =	shalt  }
0x4b: {  	_ =	shalt  }
0x4c: {  	_ =	shalt  }
0x4d: {  	_ =	shalt  }
0x4e: {  	_ =	shalt  }
0x4f: {  	_ =	shalt  }
0x50: {  	_ =	shalt  }
0x51: {  	_ =	shalt  }
0x52: {  	_ =	shalt  }
0x53: {  	_ =	shalt  }
0x54: {  	_ =	shalt  }
0x55: {  	_ =	shalt  }
0x56: {  	_ =	shalt  }
0x57: {  	_ =	shalt  }
0x58: {  	_ =	shalt  }
0x59: {  	_ =	shalt  }
0x5a: {  	_ =	shalt  }
0x5b: {  	_ =	shalt  }
0x5c: {  	_ =	shalt  }
0x5d: {  	_ =	shalt  }
0x5e: {  	_ =	shalt  }
0x5f: {  	_ =	shalt  }
0x60: {  	_ =	shalt  }
0x61: {  	_ =	shalt  }
0x62: {  	_ =	shalt  }
0x63: {  	_ =	shalt  }
0x64: {  	_ =	shalt  }
0x65: {  	_ =	shalt  }
0x66: {  	_ =	shalt  }
0x67: {  	_ =	shalt  }
0x68: {  	_ =	shalt  }
0x69: {  	_ =	shalt  }
0x6a: {  	_ =	shalt  }
0x6b: {  	_ =	shalt  }
0x6c: {  	_ =	shalt  }
0x6d: {  	_ =	shalt  }
0x6e: {  	_ =	shalt  }
0x6f: {  	_ =	shalt  }
0x70: {  	_ =	shalt  }
0x71: {  	_ =	shalt  }
0x72: {  	_ =	shalt  }
0x73: {  	_ =	shalt  }
0x74: {  	_ =	shalt  }
0x75: {  	_ =	shalt  }
0x76: {  	_ =	shalt  }
0x77: {  	_ =	shalt  }
0x78: {  	_ =	shalt  }
0x79: {  	_ =	shalt  }
0x7a: {  	_ =	shalt  }
0x7b: {  	_ =	shalt  }
0x7c: {  	_ =	shalt  }
0x7d: {  	_ =	shalt  }
0x7e: {  	_ =	shalt  }
0x7f: {  	_ =	shalt  }
0x80: {  	_ =	shalt  }
0x81: {  	_ =	shalt  }
0x82: {  	_ =	shalt  }
0x83: {  	_ =	shalt  }
0x84: {  	_ =	shalt  }
0x85: {  	_ =	shalt  }
0x86: {  	_ =	shalt  }
0x87: {  	_ =	shalt  }
.Lfunc_end0:
.L_simem_size_0:
called_computation_lowered:
.L_overlay_start_0:
0x88: {  	s2 =	sld [smem:$0x3FD9]  }
0x89: {  	s3 =	sld [smem:$0x3FFE];
	_ =	sdelay $0x1  }
0x8a: {  	s1 =	srdreg.scid  }
0x8b: {  	s0 =	sand.u32 $0x1, s1  }
0x8c: {  	s18 =	sshll.u32 s0, $0xA;
	s2 =	sadd.s32 s3, s2  }
0x8d: {  	s2 =	sadd.s32 s2, s18  }
0x8e: {  	[smem:$0x3FC7] =	sst s2  }
0x8f: {  	_ = 	snop  }
0x90: {  	s2 =	sld [smem:$0x3FC9]  }
0x91: {  	s19 =	sld [smem:$0x3FD0];
	(tm) =	ssettm $0x1  }
0x92: {  	s4 =	sld [smem:$0x3FFB];
	_ =	sdelay $0x3  }
0x93: {  	_ =	strace s4  }
0x94: {  	s4 =	sld [smem:$0x3FFC];
	_ =	sdelay $0x3  }
0x95: {  	_ =	strace s4  }
0x96: {  	s4 =	sld [smem:$0x3FFD];
	_ =	sdelay $0x3  }
0x97: {  	_ =	strace s4  }
0x98: {  	_ =	strace $0x8FFFFFFF  }
0x99: {  	s20 =	sld [smem:$0x3FDB];
	_ =	sdelay $0x1  }
0x9a: {  	s5 =	simm.s32 $_scs_section_size  }
0x9b: {  	s6 =	simm.s32 $_size__tile_overlayer_lowered;
	s7 =	simm.s32 $_tile_overlayer_lowered  }
0x9c: {  	s23 =	simm.s32 $0x1BFF;
	s22 =	sshll.u32 s7, $0x1;
	s4 =	sadd.s32 s5, s20  }
0x9d: {  	s8 =	simm.s32 $0x0;
	s21 =	sshll.u32 s6, $0x1;
	s6 =	sadd.s32 s22, s4  }
0x9e: {  	[timem:s8], [sflag:s23] =	dma.local [hbm:s6], s21  }
0x9f: {  	_ =	swait.ge [sflag:s23], s21  }
0xa0: {  	s5 =	ssub.s32 $0x0, s21;
	[sflag:s23] =	ssyncset.done $0x0  }
0xa1: {  	[sflag:s23] =	ssyncadd.s32 s5;
	_ =	sdelay $0x1  }
0xa2: {  	s24 =	simm.s32 $0x1B8B  }
0xa3: {  	_ =	swait.ge [sflag:s24], $0x1  }
0xa4: {  	[sflag:s24] =	ssyncset.done $0x0  }
0xa5: {  	s25 =	simm.s32 $0x1B8E;
	[sflag:s24] =	ssyncadd.s32 $0xFFFFFFFF  }
0xa6: {  	s26 =	simm.s32 $execute0_lowered;
	[smem:$0x3FD2] =	sst s25  }
0xa7: {  	s5 =	sshll.u32 s26, $0x1;
	_ =	strace $0x80000046;
	[dreg:$0x1] =	wrdreg $0xFFFFFFFF  }
0xa8: {  	s28 =	simm.s32 $_size_execute0_lowered;
	s4 =	sadd.s32 s4, s5;
	[dreg:$0x0] =	wrdreg $0x0  }
0xa9: {  	s5 =	sshll.u32 s28, $0x1;
	[dreg:$0x2] =	wrdreg s4  }
0xaa: {  	[dreg:$0x3] =	wrdreg s5  }
0xab: {  	[dreg:$0x4] =	wrdreg $0xC0  }
0xac: {  	_ =	task [dreg:s8], $0x5FFFF  }
0xad: {  	[dreg:$0x1] =	wrdreg $0xFFFFFFFF  }
0xae: {  	[dreg:$0x0] =	wrdreg $0x60  }
0xaf: {  	[dreg:$0x2] =	wrdreg s2  }
0xb0: {  	[dreg:$0x3] =	wrdreg s19  }
0xb1: {  	[dreg:$0x4] =	wrdreg $0x9  }
0xb2: {  	_ =	task.clear_ibuf [dreg:s8], $0x5FFFF;
	_ =	strace $0x90000046  }
0xb3: {  	s29 =	simm.s32 $0x9;
	_ =	strace $0x80000048  }
0xb4: {  	_ =	swait.ge [sflag:s29], $0x1  }
0xb5: {  	[sflag:s29] =	ssyncadd.s32 $0xFFFFFFFF  }
0xb6: {  	_ =	strace $0x90000048  }
0xb7: {  	_ =	sfence  }
0xb8: {  	s30 =	sld [smem:$0x0];
	_ =	sdelay $0x2  }
0xb9: {  	s31 =	sshll.u32 s1, $0xD;
	s1 =	sshrl.u32 s1, $0x2  }
0xba: {  	s3 =	sand.u32 $0x4000, s31;
	s1 =	sadd.s32 s1, s30  }
0xbb: {  	s0 =	sor.u32 s3, s0;
	s1 =	sshll.u32 s1, $0x11  }
0xbc: {  	s0 =	sor.u32 s1, s0  }
0xbd: {  	s0 =	sadd.s32 $0x8F2B, s0  }
0xbe: {  	[sflag:s0] =	ssyncadd.remote.s32 $0x1  }
0xbf: {  	_ =	sfence.sel $0xFFFF  }
0xc0: {  	[dreg:$0x0] =	wrdreg $0xFFFFFFFF;
	(pc) =	sbr.abs _section_cstart, $3  }
0xc1: {  	[dreg:$0x1] =	wrdreg $0xFFFFFFFF  }
0xc2: {  	_ =	task.clear_ibuf [dreg:s8], $0x2FFFF;
	_ =	strace $0x9FFFFFFF  }
0xc3: {  	(tm) =	ssettm $0x7FFFFFFF  }
tec
execute0_lowered:
.L_overlay_start_1:
0x0: {  	(tag) =	ssettag $0x1  }
0x1: {  	s1 =	srdreg.scid  }
0x2: {  	s4 =	stileid.u32;
	s1 =	sand.u32 $0x1, s1  }
0x3: {  	s0 =	rddreg [dreg:$0x0];
	s4 =	sshll.u32 s4, $0x11;
	s5 =	sshll.u32 s1, $0x10  }
0x4: {  	s3 =	rddreg [dreg:$0x1];
	s2 =	simm.s32 $0x0;
	s4 =	sor.u32 s5, s4  }
0x5: {  	[smem:$0x7FF] =	sst s2;
	s5 =	sadd.s32 s0, s4;
	s16 =	sadd.s32 s3, s4  }
0x6: {  	_ =	strace $0x80000047;
	[dreg:$0x3] =	wrdreg s5;
	s7 =	sadd.s32 $0x200000, s16  }
0x7: {  	s8 =	sadd.s32 $0x400000, s16;
	[dreg:$0x4] =	wrdreg s7  }
0x8: {  	s6 =	sor.u32 $0x2000, s4;
	s9 =	sadd.s32 $0x600000, s16;
	[dreg:$0x5] =	wrdreg s8  }
0x9: {  	s10 =	sadd.s32 s0, s6;
	[dreg:$0x6] =	wrdreg s9  }
0xa: {  	s11 =	sadd.s32 s3, s6;
	[dreg:$0x7] =	wrdreg s10  }
0xb: {  	s12 =	sadd.s32 $0x202000, s16;
	[dreg:$0x8] =	wrdreg s11  }
0xc: {  	s13 =	sadd.s32 $0x402000, s16;
	[dreg:$0x9] =	wrdreg s12  }
0xd: {  	s15 =	sor.u32 $0x3800, s4;
	s14 =	sadd.s32 $0x602000, s16;
	[dreg:$0xa] =	wrdreg s13  }
0xe: {  	s17 =	sadd.s32 s0, s15;
	[dreg:$0xb] =	wrdreg s14  }
0xf: {  	s18 =	sadd.s32 s3, s15;
	[dreg:$0xc] =	wrdreg s17  }
0x10: {  	s19 =	sadd.s32 $0x203800, s16;
	[dreg:$0xd] =	wrdreg s18  }
0x11: {  	p0 =	por $0x0, $0x0;
	s20 =	sadd.s32 $0x403800, s16;
	[dreg:$0xe] =	wrdreg s19  }
0x12: {  	s22 =	sor.u32 $0x5800, s4;
	s21 =	sadd.s32 $0x603800, s16;
	[dreg:$0xf] =	wrdreg s20  }
0x13: {  	s31 =	simm.s32 $0x10000;
	s23 =	sadd.s32 s0, s22;
	[dreg:$0x10] =	wrdreg s21  }
0x14: {  	s1 =	ssub.s32 $0x2, s1;
	s24 =	sadd.s32 s3, s22;
	[dreg:$0x11] =	wrdreg s23  }
0x15: {  	s25 =	sadd.s32 $0x205800, s16;
	s26 =	sadd.s32 $0x405800, s16;
	[dreg:$0x12] =	wrdreg s24  }
0x16: {  	s6 =	sadd.s32 $0x605800, s16;
	s29 =	sadd.s32 $0x407000, s16;
	[dreg:$0x13] =	wrdreg s25  }
0x17: {  	s30 =	sadd.s32 $0x607000, s16;
	[dreg:$0x14] =	wrdreg s26;
	s7 =	sor.u32 $0x7000, s4  }
0x18: {  	[dreg:$0x15] =	wrdreg s6;
	s11 =	sadd.s32 $0x207000, s16;
	s12 =	sor.u32 $0x9000, s4  }
0x19: {  	s24 =	sadd.s32 $0x209000, s16;
	s25 =	sadd.s32 $0x409000, s16;
	s26 =	sadd.s32 $0x609000, s16  }
0x1a: {  	s10 =	sshrl.u32 s1, $0x1;
	s17 =	sadd.s32 $0x20A800, s16;
	s18 =	sadd.s32 $0x40A800, s16  }
0x1b: {  	s13 =	sor.u32 $0xA800, s4;
	s19 =	sadd.s32 $0x60A800, s16;
	s14 =	sor.u32 $0xC800, s4  }
0x1c: {  	s4 =	sor.u32 $0xE000, s4;
	s6 =	sadd.s32 $0x20E000, s16;
	s8 =	sadd.s32 s0, s7  }
0x1d: {  	s9 =	sadd.s32 s3, s7;
	s1 =	ssub.s32 s1, s10;
	[dreg:$0x18] =	wrdreg s11  }
0x1e: {  	s28 =	sadd.s32 s0, s12;
	s23 =	sadd.s32 s3, s12;
	s21 =	sadd.s32 s0, s13  }
0x1f: {  	s20 =	sadd.s32 s3, s13;
	s15 =	sadd.s32 s0, s14;
	s22 =	smax.u32 s1, $0x1  }
0x20: {  	s11 =	sadd.s32 $0x20C800, s16;
	s12 =	sadd.s32 $0x40C800, s16;
	p1 =	sne.s32 s22, $0x1  }
.Ltmp0:
0x21: {  	s14 =	sadd.s32 s3, s14;
	s13 =	sadd.s32 $0x60C800, s16;
	(pc) =	sbr.rel @!p1 .LBB2_3-.Ltmp0, $4  }
0x22: {  	s5 =	sadd.s32 s3, s4;
	s7 =	sadd.s32 $0x40E000, s16;
	[dreg:$0x16] =	wrdreg s8  }
0x23: {  	s10 =	simm.s32 $0x1;
	s3 =	simm.s32 $0x3;
	[dreg:$0x17] =	wrdreg s9  }
0x24: {  	s8 =	sadd.s32 s0, s4;
	s9 =	sadd.s32 $0x60E000, s16;
	s4 =	simm.s32 $0x4  }
0x25: {  	s1 =	rddreg [dreg:$0x3];
	s0 =	sadd.s32 $0xFFFFFFFF, s22;
	s22 =	simm.s32 $0x2  }
0x26: {  	[tilespmem:s2], [sflag:$0x1] =	stream.linear.gather [hbm4b:s1+s2], $0x10000, $0x38;
	[tilespmem:$0x1C000] =	vst v63  }
0x27: {  	_ =	swait.ge [sflag:s10], $0x10000  }
0x28: {  	[sflag:s10] =	ssyncset.done $0x0  }
0x29: {  	[dreg:$0x1a] =	wrdreg s0;
	[sflag:s10] =	ssyncadd.s32 $0xFFFF0000  }
0x2a: {  	[hbm4b:s16+s2] =	stream.linear.scatter [tilespmem:s2], [sflag:$0x3], $0x10000, $0x38;
	[tilespmem:$0x1C000] =	vst v63  }
0x2b: {  	s1 =	rddreg [dreg:$0x4]  }
0x2c: {  	[hbm4b:s1+s2] =	stream.linear.scatter [tilespmem:s2], [sflag:$0x3], $0x10000, $0x38;
	[tilespmem:$0x1C000] =	vst v63  }
0x2d: {  	s0 =	rddreg [dreg:$0x5]  }
0x2e: {  	[hbm4b:s0+s2] =	stream.linear.scatter [tilespmem:s2], [sflag:$0x3], $0x10000, $0x38;
	[tilespmem:$0x1C000] =	vst v63  }
0x2f: {  	s1 =	rddreg [dreg:$0x6]  }
0x30: {  	[hbm4b:s1+s2] =	stream.linear.scatter [tilespmem:s2], [sflag:$0x3], $0x10000, $0x38;
	[tilespmem:$0x1C000] =	vst v63  }
0x31: {  	s0 =	rddreg [dreg:$0x7]  }
0x32: {  	[tilespmem:s31], [sflag:$0x2] =	stream.linear.gather [hbm4b:s0+s2], $0xC000, $0x38;
	[tilespmem:$0x1C000] =	vst v63  }
0x33: {  	_ =	swait.ge [sflag:s22], $0xC000  }
0x34: {  	[sflag:s22] =	ssyncset.done $0x0  }
0x35: {  	s0 =	rddreg [dreg:$0x8];
	[sflag:s22] =	ssyncadd.s32 $0xFFFF4000  }
0x36: {  	[hbm4b:s0+s2] =	stream.linear.scatter [tilespmem:s31], [sflag:$0x4], $0xC000, $0x38;
	[tilespmem:$0x1C000] =	vst v63  }
0x37: {  	s1 =	rddreg [dreg:$0x9]  }
0x38: {  	[hbm4b:s1+s2] =	stream.linear.scatter [tilespmem:s31], [sflag:$0x4], $0xC000, $0x38;
	[tilespmem:$0x1C000] =	vst v63  }
0x39: {  	s0 =	rddreg [dreg:$0xa]  }
0x3a: {  	[hbm4b:s0+s2] =	stream.linear.scatter [tilespmem:s31], [sflag:$0x4], $0xC000, $0x38;
	[tilespmem:$0x1C000] =	vst v63  }
0x3b: {  	s1 =	rddreg [dreg:$0xb]  }
0x3c: {  	[hbm4b:s1+s2] =	stream.linear.scatter [tilespmem:s31], [sflag:$0x4], $0xC000, $0x38;
	[tilespmem:$0x1C000] =	vst v63  }
0x3d: {  	_ =	swait.ge [sflag:s3], $0x10000  }
0x3e: {  	[sflag:s3] =	ssyncset.done $0x0  }
0x3f: {  	[sflag:s3] =	ssyncadd.s32 $0xFFFF0000  }
0x40: {  	_ =	swait.ge [sflag:s3], $0x10000  }
0x41: {  	[sflag:s3] =	ssyncset.done $0x0  }
0x42: {  	[sflag:s3] =	ssyncadd.s32 $0xFFFF0000  }
0x43: {  	_ =	swait.ge [sflag:s3], $0x10000  }
0x44: {  	[sflag:s3] =	ssyncset.done $0x0  }
0x45: {  	[sflag:s3] =	ssyncadd.s32 $0xFFFF0000  }
0x46: {  	_ =	swait.ge [sflag:s3], $0x10000  }
0x47: {  	[sflag:s3] =	ssyncset.done $0x0  }
0x48: {  	s1 =	rddreg [dreg:$0xc];
	[sflag:s3] =	ssyncadd.s32 $0xFFFF0000  }
0x49: {  	[tilespmem:s2], [sflag:$0x1] =	stream.linear.gather [hbm4b:s1+s2], $0x10000, $0x38;
	[tilespmem:$0x1C000] =	vst v63  }
0x4a: {  	_ =	swait.ge [sflag:s10], $0x10000  }
0x4b: {  	[sflag:s10] =	ssyncset.done $0x0  }
0x4c: {  	s0 =	rddreg [dreg:$0xd];
	[sflag:s10] =	ssyncadd.s32 $0xFFFF0000  }
0x4d: {  	[hbm4b:s0+s2] =	stream.linear.scatter [tilespmem:s2], [sflag:$0x3], $0x10000, $0x38;
	[tilespmem:$0x1C000] =	vst v63  }
0x4e: {  	s1 =	rddreg [dreg:$0xe]  }
0x4f: {  	[hbm4b:s1+s2] =	stream.linear.scatter [tilespmem:s2], [sflag:$0x3], $0x10000, $0x38;
	[tilespmem:$0x1C000] =	vst v63  }
0x50: {  	s0 =	rddreg [dreg:$0xf]  }
0x51: {  	[hbm4b:s0+s2] =	stream.linear.scatter [tilespmem:s2], [sflag:$0x3], $0x10000, $0x38;
	[tilespmem:$0x1C000] =	vst v63  }
0x52: {  	s1 =	rddreg [dreg:$0x10]  }
0x53: {  	[hbm4b:s1+s2] =	stream.linear.scatter [tilespmem:s2], [sflag:$0x3], $0x10000, $0x38;
	[tilespmem:$0x1C000] =	vst v63  }
0x54: {  	_ =	swait.ge [sflag:s4], $0xC000  }
0x55: {  	[sflag:s4] =	ssyncset.done $0x0  }
0x56: {  	[sflag:s4] =	ssyncadd.s32 $0xFFFF4000  }
0x57: {  	_ =	swait.ge [sflag:s4], $0xC000  }
0x58: {  	[sflag:s4] =	ssyncset.done $0x0  }
0x59: {  	[sflag:s4] =	ssyncadd.s32 $0xFFFF4000  }
0x5a: {  	_ =	swait.ge [sflag:s4], $0xC000  }
0x5b: {  	[sflag:s4] =	ssyncset.done $0x0  }
0x5c: {  	[sflag:s4] =	ssyncadd.s32 $0xFFFF4000  }
0x5d: {  	_ =	swait.ge [sflag:s4], $0xC000  }
0x5e: {  	[sflag:s4] =	ssyncset.done $0x0  }
0x5f: {  	s1 =	rddreg [dreg:$0x11];
	[sflag:s4] =	ssyncadd.s32 $0xFFFF4000  }
0x60: {  	[tilespmem:s31], [sflag:$0x2] =	stream.linear.gather [hbm4b:s1+s2], $0xC000, $0x38;
	[tilespmem:$0x1C000] =	vst v63  }
0x61: {  	_ =	swait.ge [sflag:s22], $0xC000  }
0x62: {  	[sflag:s22] =	ssyncset.done $0x0  }
0x63: {  	s0 =	rddreg [dreg:$0x12];
	[sflag:s22] =	ssyncadd.s32 $0xFFFF4000  }
0x64: {  	[hbm4b:s0+s2] =	stream.linear.scatter [tilespmem:s31], [sflag:$0x4], $0xC000, $0x38;
	[tilespmem:$0x1C000] =	vst v63  }
0x65: {  	s1 =	rddreg [dreg:$0x13]  }
0x66: {  	[hbm4b:s1+s2] =	stream.linear.scatter [tilespmem:s31], [sflag:$0x4], $0xC000, $0x38;
	[tilespmem:$0x1C000] =	vst v63  }
0x67: {  	s0 =	rddreg [dreg:$0x14]  }
0x68: {  	[hbm4b:s0+s2] =	stream.linear.scatter [tilespmem:s31], [sflag:$0x4], $0xC000, $0x38;
	[tilespmem:$0x1C000] =	vst v63  }
0x69: {  	s1 =	rddreg [dreg:$0x15]  }
0x6a: {  	[hbm4b:s1+s2] =	stream.linear.scatter [tilespmem:s31], [sflag:$0x4], $0xC000, $0x38;
	[tilespmem:$0x1C000] =	vst v63  }
0x6b: {  	_ =	swait.ge [sflag:s3], $0x10000  }
0x6c: {  	[sflag:s3] =	ssyncset.done $0x0  }
0x6d: {  	[sflag:s3] =	ssyncadd.s32 $0xFFFF0000  }
0x6e: {  	_ =	swait.ge [sflag:s3], $0x10000  }
0x6f: {  	[sflag:s3] =	ssyncset.done $0x0  }
0x70: {  	[sflag:s3] =	ssyncadd.s32 $0xFFFF0000  }
0x71: {  	_ =	swait.ge [sflag:s3], $0x10000  }
0x72: {  	[sflag:s3] =	ssyncset.done $0x0  }
0x73: {  	[sflag:s3] =	ssyncadd.s32 $0xFFFF0000  }
0x74: {  	_ =	swait.ge [sflag:s3], $0x10000  }
0x75: {  	[sflag:s3] =	ssyncset.done $0x0  }
0x76: {  	s1 =	rddreg [dreg:$0x16];
	[sflag:s3] =	ssyncadd.s32 $0xFFFF0000  }
0x77: {  	[tilespmem:s2], [sflag:$0x1] =	stream.linear.gather [hbm4b:s1+s2], $0x10000, $0x38;
	[tilespmem:$0x1C000] =	vst v63  }
0x78: {  	_ =	swait.ge [sflag:s10], $0x10000  }
0x79: {  	[sflag:s10] =	ssyncset.done $0x0  }
0x7a: {  	s0 =	rddreg [dreg:$0x17];
	[sflag:s10] =	ssyncadd.s32 $0xFFFF0000  }
0x7b: {  	[hbm4b:s0+s2] =	stream.linear.scatter [tilespmem:s2], [sflag:$0x3], $0x10000, $0x38;
	[tilespmem:$0x1C000] =	vst v63  }
0x7c: {  	s1 =	rddreg [dreg:$0x18]  }
0x7d: {  	[hbm4b:s1+s2] =	stream.linear.scatter [tilespmem:s2], [sflag:$0x3], $0x10000, $0x38;
	[tilespmem:$0x1C000] =	vst v63  }
0x7e: {  	_ = 	snop  }
0x7f: {  	[hbm4b:s29+s2] =	stream.linear.scatter [tilespmem:s2], [sflag:$0x3], $0x10000, $0x38;
	[tilespmem:$0x1C000] =	vst v63  }
0x80: {  	_ = 	snop  }
0x81: {  	[hbm4b:s30+s2] =	stream.linear.scatter [tilespmem:s2], [sflag:$0x3], $0x10000, $0x38;
	[tilespmem:$0x1C000] =	vst v63  }
0x82: {  	_ =	swait.ge [sflag:s4], $0xC000  }
0x83: {  	[sflag:s4] =	ssyncset.done $0x0  }
0x84: {  	[sflag:s4] =	ssyncadd.s32 $0xFFFF4000  }
0x85: {  	_ =	swait.ge [sflag:s4], $0xC000  }
0x86: {  	[sflag:s4] =	ssyncset.done $0x0  }
0x87: {  	[sflag:s4] =	ssyncadd.s32 $0xFFFF4000  }
0x88: {  	_ =	swait.ge [sflag:s4], $0xC000  }
0x89: {  	[sflag:s4] =	ssyncset.done $0x0  }
0x8a: {  	[sflag:s4] =	ssyncadd.s32 $0xFFFF4000  }
0x8b: {  	_ =	swait.ge [sflag:s4], $0xC000  }
0x8c: {  	[sflag:s4] =	ssyncset.done $0x0  }
0x8d: {  	[sflag:s4] =	ssyncadd.s32 $0xFFFF4000  }
0x8e: {  	[tilespmem:s31], [sflag:$0x2] =	stream.linear.gather [hbm4b:s28+s2], $0xC000, $0x38;
	[tilespmem:$0x1C000] =	vst v63  }
0x8f: {  	_ =	swait.ge [sflag:s22], $0xC000  }
0x90: {  	[sflag:s22] =	ssyncset.done $0x0  }
0x91: {  	[sflag:s22] =	ssyncadd.s32 $0xFFFF4000  }
0x92: {  	[hbm4b:s23+s2] =	stream.linear.scatter [tilespmem:s31], [sflag:$0x4], $0xC000, $0x38;
	[tilespmem:$0x1C000] =	vst v63  }
0x93: {  	_ = 	snop  }
0x94: {  	[hbm4b:s24+s2] =	stream.linear.scatter [tilespmem:s31], [sflag:$0x4], $0xC000, $0x38;
	[tilespmem:$0x1C000] =	vst v63  }
0x95: {  	_ = 	snop  }
0x96: {  	[hbm4b:s25+s2] =	stream.linear.scatter [tilespmem:s31], [sflag:$0x4], $0xC000, $0x38;
	[tilespmem:$0x1C000] =	vst v63  }
0x97: {  	_ = 	snop  }
0x98: {  	[hbm4b:s26+s2] =	stream.linear.scatter [tilespmem:s31], [sflag:$0x4], $0xC000, $0x38;
	[tilespmem:$0x1C000] =	vst v63  }
0x99: {  	_ =	swait.ge [sflag:s3], $0x10000  }
0x9a: {  	[sflag:s3] =	ssyncset.done $0x0  }
0x9b: {  	[sflag:s3] =	ssyncadd.s32 $0xFFFF0000  }
0x9c: {  	_ =	swait.ge [sflag:s3], $0x10000  }
0x9d: {  	[sflag:s3] =	ssyncset.done $0x0  }
0x9e: {  	[sflag:s3] =	ssyncadd.s32 $0xFFFF0000  }
0x9f: {  	_ =	swait.ge [sflag:s3], $0x10000  }
0xa0: {  	[sflag:s3] =	ssyncset.done $0x0  }
0xa1: {  	[sflag:s3] =	ssyncadd.s32 $0xFFFF0000  }
0xa2: {  	_ =	swait.ge [sflag:s3], $0x10000  }
0xa3: {  	[sflag:s3] =	ssyncset.done $0x0  }
0xa4: {  	[sflag:s3] =	ssyncadd.s32 $0xFFFF0000  }
0xa5: {  	[tilespmem:s2], [sflag:$0x1] =	stream.linear.gather [hbm4b:s21+s2], $0x10000, $0x38;
	[tilespmem:$0x1C000] =	vst v63  }
0xa6: {  	_ =	swait.ge [sflag:s10], $0x10000  }
0xa7: {  	[sflag:s10] =	ssyncset.done $0x0  }
0xa8: {  	[sflag:s10] =	ssyncadd.s32 $0xFFFF0000  }
0xa9: {  	[hbm4b:s20+s2] =	stream.linear.scatter [tilespmem:s2], [sflag:$0x3], $0x10000, $0x38;
	[tilespmem:$0x1C000] =	vst v63  }
0xaa: {  	_ = 	snop  }
0xab: {  	[hbm4b:s17+s2] =	stream.linear.scatter [tilespmem:s2], [sflag:$0x3], $0x10000, $0x38;
	[tilespmem:$0x1C000] =	vst v63  }
0xac: {  	_ = 	snop  }
0xad: {  	[hbm4b:s18+s2] =	stream.linear.scatter [tilespmem:s2], [sflag:$0x3], $0x10000, $0x38;
	[tilespmem:$0x1C000] =	vst v63  }
0xae: {  	_ = 	snop  }
0xaf: {  	[hbm4b:s19+s2] =	stream.linear.scatter [tilespmem:s2], [sflag:$0x3], $0x10000, $0x38;
	[tilespmem:$0x1C000] =	vst v63  }
0xb0: {  	_ =	swait.ge [sflag:s4], $0xC000  }
0xb1: {  	[sflag:s4] =	ssyncset.done $0x0  }
0xb2: {  	[sflag:s4] =	ssyncadd.s32 $0xFFFF4000  }
0xb3: {  	_ =	swait.ge [sflag:s4], $0xC000  }
0xb4: {  	[sflag:s4] =	ssyncset.done $0x0  }
0xb5: {  	[sflag:s4] =	ssyncadd.s32 $0xFFFF4000  }
0xb6: {  	_ =	swait.ge [sflag:s4], $0xC000  }
0xb7: {  	[sflag:s4] =	ssyncset.done $0x0  }
0xb8: {  	[sflag:s4] =	ssyncadd.s32 $0xFFFF4000  }
0xb9: {  	_ =	swait.ge [sflag:s4], $0xC000  }
0xba: {  	[sflag:s4] =	ssyncset.done $0x0  }
0xbb: {  	[sflag:s4] =	ssyncadd.s32 $0xFFFF4000  }
0xbc: {  	[tilespmem:s31], [sflag:$0x2] =	stream.linear.gather [hbm4b:s15+s2], $0xC000, $0x38;
	[tilespmem:$0x1C000] =	vst v63  }
0xbd: {  	_ =	swait.ge [sflag:s22], $0xC000  }
0xbe: {  	[sflag:s22] =	ssyncset.done $0x0  }
0xbf: {  	[sflag:s22] =	ssyncadd.s32 $0xFFFF4000  }
0xc0: {  	[hbm4b:s14+s2] =	stream.linear.scatter [tilespmem:s31], [sflag:$0x4], $0xC000, $0x38;
	[tilespmem:$0x1C000] =	vst v63  }
0xc1: {  	_ = 	snop  }
0xc2: {  	[hbm4b:s11+s2] =	stream.linear.scatter [tilespmem:s31], [sflag:$0x4], $0xC000, $0x38;
	[tilespmem:$0x1C000] =	vst v63  }
0xc3: {  	_ = 	snop  }
0xc4: {  	[hbm4b:s12+s2] =	stream.linear.scatter [tilespmem:s31], [sflag:$0x4], $0xC000, $0x38;
	[tilespmem:$0x1C000] =	vst v63  }
0xc5: {  	_ = 	snop  }
0xc6: {  	[hbm4b:s13+s2] =	stream.linear.scatter [tilespmem:s31], [sflag:$0x4], $0xC000, $0x38;
	[tilespmem:$0x1C000] =	vst v63  }
0xc7: {  	_ =	swait.ge [sflag:s3], $0x10000  }
0xc8: {  	[sflag:s3] =	ssyncset.done $0x0  }
0xc9: {  	[sflag:s3] =	ssyncadd.s32 $0xFFFF0000  }
0xca: {  	_ =	swait.ge [sflag:s3], $0x10000  }
0xcb: {  	[sflag:s3] =	ssyncset.done $0x0  }
0xcc: {  	[sflag:s3] =	ssyncadd.s32 $0xFFFF0000  }
0xcd: {  	_ =	swait.ge [sflag:s3], $0x10000  }
0xce: {  	[sflag:s3] =	ssyncset.done $0x0  }
0xcf: {  	[sflag:s3] =	ssyncadd.s32 $0xFFFF0000  }
0xd0: {  	_ =	swait.ge [sflag:s3], $0x10000  }
0xd1: {  	[sflag:s3] =	ssyncset.done $0x0  }
0xd2: {  	[sflag:s3] =	ssyncadd.s32 $0xFFFF0000  }
0xd3: {  	[tilespmem:s2], [sflag:$0x1] =	stream.linear.gather [hbm4b:s8+s2], $0x10000, $0x38;
	[tilespmem:$0x1C000] =	vst v63  }
0xd4: {  	_ =	swait.ge [sflag:s10], $0x10000  }
0xd5: {  	[sflag:s10] =	ssyncset.done $0x0  }
0xd6: {  	[sflag:s10] =	ssyncadd.s32 $0xFFFF0000  }
0xd7: {  	[hbm4b:s5+s2] =	stream.linear.scatter [tilespmem:s2], [sflag:$0x3], $0x10000, $0x38;
	[tilespmem:$0x1C000] =	vst v63  }
0xd8: {  	_ = 	snop  }
0xd9: {  	[hbm4b:s6+s2] =	stream.linear.scatter [tilespmem:s2], [sflag:$0x3], $0x10000, $0x38;
	[tilespmem:$0x1C000] =	vst v63  }
0xda: {  	_ = 	snop  }
0xdb: {  	[hbm4b:s7+s2] =	stream.linear.scatter [tilespmem:s2], [sflag:$0x3], $0x10000, $0x38;
	[tilespmem:$0x1C000] =	vst v63  }
0xdc: {  	_ = 	snop  }
0xdd: {  	[hbm4b:s9+s2] =	stream.linear.scatter [tilespmem:s2], [sflag:$0x3], $0x10000, $0x38;
	[tilespmem:$0x1C000] =	vst v63  }
0xde: {  	_ =	swait.ge [sflag:s4], $0xC000  }
0xdf: {  	[sflag:s4] =	ssyncset.done $0x0  }
0xe0: {  	[sflag:s4] =	ssyncadd.s32 $0xFFFF4000  }
0xe1: {  	_ =	swait.ge [sflag:s4], $0xC000  }
0xe2: {  	[sflag:s4] =	ssyncset.done $0x0  }
0xe3: {  	[sflag:s4] =	ssyncadd.s32 $0xFFFF4000  }
0xe4: {  	_ =	swait.ge [sflag:s4], $0xC000  }
0xe5: {  	[sflag:s4] =	ssyncset.done $0x0  }
0xe6: {  	[sflag:s4] =	ssyncadd.s32 $0xFFFF4000  }
0xe7: {  	_ =	swait.ge [sflag:s4], $0xC000  }
0xe8: {  	[sflag:s4] =	ssyncset.done $0x0  }
0xe9: {  	[sflag:s4] =	ssyncadd.s32 $0xFFFF4000  }
0xea: {  	_ =	swait.ge [sflag:s3], $0x10000  }
0xeb: {  	[sflag:s3] =	ssyncset.done $0x0  }
0xec: {  	[sflag:s3] =	ssyncadd.s32 $0xFFFF0000  }
0xed: {  	_ =	swait.ge [sflag:s3], $0x10000  }
0xee: {  	[sflag:s3] =	ssyncset.done $0x0  }
0xef: {  	[sflag:s3] =	ssyncadd.s32 $0xFFFF0000  }
0xf0: {  	_ =	swait.ge [sflag:s3], $0x10000  }
0xf1: {  	s1 =	rddreg [dreg:$0x1a]  }
0xf2: {  	p1 =	sne.s32 s1, $0x1  }
.Ltmp1:
0xf3: {  	_ = 	snop;
	(pc) =	sbr.rel @!p1 .LBB2_3-.Ltmp1, $4  }
0xf4: {  	[sflag:s3] =	ssyncset.done $0x0  }
0xf5: {  	[sflag:s3] =	ssyncadd.s32 $0xFFFF0000  }
0xf6: {  	p0 =	por $0x1, $0x1;
	_ =	swait.ge [sflag:s3], $0x10000;
	[dreg:$0x19] =	wrdreg s16  }
0xf7: {  	s0 =	sadd.s32 $0xFFFFFFFF, s1;
	s1 =	rddreg [dreg:$0x3];
	[sflag:s3] =	ssyncset.done $0x0  }
.LBB2_2:
0xf8: {  	[sflag:s3] =	ssyncadd.s32 $0xFFFF0000  }
0xf9: {  	s22 =	smov.u32 s30;
	s30 =	smov.u32 s29;
	s29 =	smov.u32 s28  }
0xfa: {  	s28 =	smov.u32 s26;
	s26 =	smov.u32 s25;
	s25 =	smov.u32 s24  }
0xfb: {  	s24 =	smov.u32 s23;
	s23 =	smov.u32 s21;
	s21 =	smov.u32 s20  }
0xfc: {  	s20 =	smov.u32 s19;
	s19 =	smov.u32 s18;
	s18 =	smov.u32 s17  }
0xfd: {  	[tilespmem:s2], [sflag:$0x1] =	stream.linear.gather [hbm4b:s1+s2], $0x10000, $0x38;
	[tilespmem:$0x1C000] =	vst v63  }
0xfe: {  	s17 =	smov.u32 s15;
	s15 =	smov.u32 s14;
	_ =	swait.ge [sflag:s10], $0x10000  }
0xff: {  	s14 =	smov.u32 s13;
	s13 =	smov.u32 s12;
	[sflag:s10] =	ssyncset.done $0x0  }
0x100: {  	s12 =	smov.u32 s11;
	s11 =	smov.u32 s9;
	[sflag:s10] =	ssyncadd.s32 $0xFFFF0000  }
0x101: {  	[hbm4b:s16+s2] =	stream.linear.scatter [tilespmem:s2], [sflag:$0x3], $0x10000, $0x38;
	[tilespmem:$0x1C000] =	vst v63  }
0x102: {  	s9 =	smov.u32 s8;
	s8 =	smov.u32 s7;
	s1 =	rddreg [dreg:$0x4]  }
0x103: {  	[hbm4b:s1+s2] =	stream.linear.scatter [tilespmem:s2], [sflag:$0x3], $0x10000, $0x38;
	[tilespmem:$0x1C000] =	vst v63  }
0x104: {  	s7 =	smov.u32 s6;
	s6 =	smov.u32 s5;
	s5 =	rddreg [dreg:$0x5]  }
0x105: {  	[hbm4b:s5+s2] =	stream.linear.scatter [tilespmem:s2], [sflag:$0x3], $0x10000, $0x38;
	[tilespmem:$0x1C000] =	vst v63  }
0x106: {  	s1 =	rddreg [dreg:$0x6]  }
0x107: {  	[hbm4b:s1+s2] =	stream.linear.scatter [tilespmem:s2], [sflag:$0x3], $0x10000, $0x38;
	[tilespmem:$0x1C000] =	vst v63  }
0x108: {  	s10 =	simm.s32 $0x2;
	s5 =	rddreg [dreg:$0x7]  }
0x109: {  	[tilespmem:s31], [sflag:$0x2] =	stream.linear.gather [hbm4b:s5+s2], $0xC000, $0x38;
	[tilespmem:$0x1C000] =	vst v63  }
0x10a: {  	_ =	swait.ge [sflag:s10], $0xC000  }
0x10b: {  	[sflag:s10] =	ssyncset.done $0x0  }
0x10c: {  	s1 =	rddreg [dreg:$0x8];
	[sflag:s10] =	ssyncadd.s32 $0xFFFF4000  }
0x10d: {  	[hbm4b:s1+s2] =	stream.linear.scatter [tilespmem:s31], [sflag:$0x4], $0xC000, $0x38;
	[tilespmem:$0x1C000] =	vst v63  }
0x10e: {  	s5 =	rddreg [dreg:$0x9]  }
0x10f: {  	[hbm4b:s5+s2] =	stream.linear.scatter [tilespmem:s31], [sflag:$0x4], $0xC000, $0x38;
	[tilespmem:$0x1C000] =	vst v63  }
0x110: {  	s1 =	rddreg [dreg:$0xa]  }
0x111: {  	[hbm4b:s1+s2] =	stream.linear.scatter [tilespmem:s31], [sflag:$0x4], $0xC000, $0x38;
	[tilespmem:$0x1C000] =	vst v63  }
0x112: {  	s5 =	rddreg [dreg:$0xb]  }
0x113: {  	[hbm4b:s5+s2] =	stream.linear.scatter [tilespmem:s31], [sflag:$0x4], $0xC000, $0x38;
	[tilespmem:$0x1C000] =	vst v63  }
0x114: {  	_ =	swait.ge [sflag:s3], $0x10000  }
0x115: {  	[sflag:s3] =	ssyncset.done $0x0  }
0x116: {  	[sflag:s3] =	ssyncadd.s32 $0xFFFF0000  }
0x117: {  	_ =	swait.ge [sflag:s3], $0x10000  }
0x118: {  	[sflag:s3] =	ssyncset.done $0x0  }
0x119: {  	[sflag:s3] =	ssyncadd.s32 $0xFFFF0000  }
0x11a: {  	_ =	swait.ge [sflag:s3], $0x10000  }
0x11b: {  	[sflag:s3] =	ssyncset.done $0x0  }
0x11c: {  	[sflag:s3] =	ssyncadd.s32 $0xFFFF0000  }
0x11d: {  	_ =	swait.ge [sflag:s3], $0x10000  }
0x11e: {  	[sflag:s3] =	ssyncset.done $0x0  }
0x11f: {  	s16 =	simm.s32 $0x1;
	s5 =	rddreg [dreg:$0xc];
	[sflag:s3] =	ssyncadd.s32 $0xFFFF0000  }
0x120: {  	[tilespmem:s2], [sflag:$0x1] =	stream.linear.gather [hbm4b:s5+s2], $0x10000, $0x38;
	[tilespmem:$0x1C000] =	vst v63  }
0x121: {  	_ =	swait.ge [sflag:s16], $0x10000  }
0x122: {  	[sflag:s16] =	ssyncset.done $0x0  }
0x123: {  	s5 =	rddreg [dreg:$0xd];
	[sflag:s16] =	ssyncadd.s32 $0xFFFF0000  }
0x124: {  	[hbm4b:s5+s2] =	stream.linear.scatter [tilespmem:s2], [sflag:$0x3], $0x10000, $0x38;
	[tilespmem:$0x1C000] =	vst v63  }
0x125: {  	s16 =	rddreg [dreg:$0xe]  }
0x126: {  	[hbm4b:s16+s2] =	stream.linear.scatter [tilespmem:s2], [sflag:$0x3], $0x10000, $0x38;
	[tilespmem:$0x1C000] =	vst v63  }
0x127: {  	s1 =	rddreg [dreg:$0xf]  }
0x128: {  	[hbm4b:s1+s2] =	stream.linear.scatter [tilespmem:s2], [sflag:$0x3], $0x10000, $0x38;
	[tilespmem:$0x1C000] =	vst v63  }
0x129: {  	s16 =	rddreg [dreg:$0x10]  }
0x12a: {  	[hbm4b:s16+s2] =	stream.linear.scatter [tilespmem:s2], [sflag:$0x3], $0x10000, $0x38;
	[tilespmem:$0x1C000] =	vst v63  }
0x12b: {  	_ =	swait.ge [sflag:s4], $0xC000  }
0x12c: {  	[sflag:s4] =	ssyncset.done $0x0  }
0x12d: {  	[sflag:s4] =	ssyncadd.s32 $0xFFFF4000  }
0x12e: {  	_ =	swait.ge [sflag:s4], $0xC000  }
0x12f: {  	[sflag:s4] =	ssyncset.done $0x0  }
0x130: {  	[sflag:s4] =	ssyncadd.s32 $0xFFFF4000  }
0x131: {  	_ =	swait.ge [sflag:s4], $0xC000  }
0x132: {  	[sflag:s4] =	ssyncset.done $0x0  }
0x133: {  	[sflag:s4] =	ssyncadd.s32 $0xFFFF4000  }
0x134: {  	_ =	swait.ge [sflag:s4], $0xC000  }
0x135: {  	[sflag:s4] =	ssyncset.done $0x0  }
0x136: {  	s16 =	rddreg [dreg:$0x11];
	[sflag:s4] =	ssyncadd.s32 $0xFFFF4000  }
0x137: {  	[tilespmem:s31], [sflag:$0x2] =	stream.linear.gather [hbm4b:s16+s2], $0xC000, $0x38;
	[tilespmem:$0x1C000] =	vst v63  }
0x138: {  	_ =	swait.ge [sflag:s10], $0xC000  }
0x139: {  	[sflag:s10] =	ssyncset.done $0x0  }
0x13a: {  	s5 =	rddreg [dreg:$0x12];
	[sflag:s10] =	ssyncadd.s32 $0xFFFF4000  }
0x13b: {  	[hbm4b:s5+s2] =	stream.linear.scatter [tilespmem:s31], [sflag:$0x4], $0xC000, $0x38;
	[tilespmem:$0x1C000] =	vst v63  }
0x13c: {  	s16 =	rddreg [dreg:$0x13]  }
0x13d: {  	[hbm4b:s16+s2] =	stream.linear.scatter [tilespmem:s31], [sflag:$0x4], $0xC000, $0x38;
	[tilespmem:$0x1C000] =	vst v63  }
0x13e: {  	s1 =	rddreg [dreg:$0x14]  }
0x13f: {  	[hbm4b:s1+s2] =	stream.linear.scatter [tilespmem:s31], [sflag:$0x4], $0xC000, $0x38;
	[tilespmem:$0x1C000] =	vst v63  }
0x140: {  	s16 =	rddreg [dreg:$0x15]  }
0x141: {  	[hbm4b:s16+s2] =	stream.linear.scatter [tilespmem:s31], [sflag:$0x4], $0xC000, $0x38;
	[tilespmem:$0x1C000] =	vst v63  }
0x142: {  	_ =	swait.ge [sflag:s3], $0x10000  }
0x143: {  	[sflag:s3] =	ssyncset.done $0x0  }
0x144: {  	[sflag:s3] =	ssyncadd.s32 $0xFFFF0000  }
0x145: {  	_ =	swait.ge [sflag:s3], $0x10000  }
0x146: {  	[sflag:s3] =	ssyncset.done $0x0  }
0x147: {  	[sflag:s3] =	ssyncadd.s32 $0xFFFF0000  }
0x148: {  	s10 =	simm.s32 $0x1;
	s1 =	smov.u32 s7;
	_ =	swait.ge [sflag:s3], $0x10000  }
0x149: {  	s7 =	smov.u32 s8;
	s8 =	smov.u32 s9;
	[sflag:s3] =	ssyncset.done $0x0  }
0x14a: {  	s9 =	smov.u32 s11;
	s11 =	smov.u32 s12;
	[sflag:s3] =	ssyncadd.s32 $0xFFFF0000  }
0x14b: {  	s12 =	smov.u32 s13;
	s13 =	smov.u32 s14;
	_ =	swait.ge [sflag:s3], $0x10000  }
0x14c: {  	s14 =	smov.u32 s15;
	s15 =	smov.u32 s17;
	[sflag:s3] =	ssyncset.done $0x0  }
0x14d: {  	s17 =	smov.u32 s18;
	s16 =	rddreg [dreg:$0x16];
	[sflag:s3] =	ssyncadd.s32 $0xFFFF0000  }
0x14e: {  	[tilespmem:s2], [sflag:$0x1] =	stream.linear.gather [hbm4b:s16+s2], $0x10000, $0x38;
	[tilespmem:$0x1C000] =	vst v63  }
0x14f: {  	s18 =	smov.u32 s19;
	s19 =	smov.u32 s20;
	_ =	swait.ge [sflag:s10], $0x10000  }
0x150: {  	s20 =	smov.u32 s21;
	s21 =	smov.u32 s23;
	[sflag:s10] =	ssyncset.done $0x0  }
0x151: {  	s23 =	smov.u32 s24;
	s5 =	rddreg [dreg:$0x17];
	[sflag:s10] =	ssyncadd.s32 $0xFFFF0000  }
0x152: {  	[hbm4b:s5+s2] =	stream.linear.scatter [tilespmem:s2], [sflag:$0x3], $0x10000, $0x38;
	[tilespmem:$0x1C000] =	vst v63  }
0x153: {  	s24 =	smov.u32 s25;
	s25 =	smov.u32 s26;
	s16 =	rddreg [dreg:$0x18]  }
0x154: {  	[hbm4b:s16+s2] =	stream.linear.scatter [tilespmem:s2], [sflag:$0x3], $0x10000, $0x38;
	[tilespmem:$0x1C000] =	vst v63  }
0x155: {  	s26 =	smov.u32 s28;
	s28 =	smov.u32 s29;
	s29 =	smov.u32 s30  }
0x156: {  	[hbm4b:s29+s2] =	stream.linear.scatter [tilespmem:s2], [sflag:$0x3], $0x10000, $0x38;
	[tilespmem:$0x1C000] =	vst v63  }
0x157: {  	s30 =	smov.u32 s22  }
0x158: {  	[hbm4b:s30+s2] =	stream.linear.scatter [tilespmem:s2], [sflag:$0x3], $0x10000, $0x38;
	[tilespmem:$0x1C000] =	vst v63  }
0x159: {  	s16 =	rddreg [dreg:$0x19];
	_ =	swait.ge [sflag:s4], $0xC000  }
0x15a: {  	[sflag:s4] =	ssyncset.done $0x0  }
0x15b: {  	[sflag:s4] =	ssyncadd.s32 $0xFFFF4000  }
0x15c: {  	_ =	swait.ge [sflag:s4], $0xC000  }
0x15d: {  	[sflag:s4] =	ssyncset.done $0x0  }
0x15e: {  	[sflag:s4] =	ssyncadd.s32 $0xFFFF4000  }
0x15f: {  	_ =	swait.ge [sflag:s4], $0xC000  }
0x160: {  	[sflag:s4] =	ssyncset.done $0x0  }
0x161: {  	[sflag:s4] =	ssyncadd.s32 $0xFFFF4000  }
0x162: {  	_ =	swait.ge [sflag:s4], $0xC000  }
0x163: {  	[sflag:s4] =	ssyncset.done $0x0  }
0x164: {  	s22 =	simm.s32 $0x2;
	[sflag:s4] =	ssyncadd.s32 $0xFFFF4000  }
0x165: {  	[tilespmem:s31], [sflag:$0x2] =	stream.linear.gather [hbm4b:s28+s2], $0xC000, $0x38;
	[tilespmem:$0x1C000] =	vst v63  }
0x166: {  	_ =	swait.ge [sflag:s22], $0xC000  }
0x167: {  	[sflag:s22] =	ssyncset.done $0x0  }
0x168: {  	[sflag:s22] =	ssyncadd.s32 $0xFFFF4000  }
0x169: {  	[hbm4b:s23+s2] =	stream.linear.scatter [tilespmem:s31], [sflag:$0x4], $0xC000, $0x38;
	[tilespmem:$0x1C000] =	vst v63  }
0x16a: {  	_ = 	snop  }
0x16b: {  	[hbm4b:s24+s2] =	stream.linear.scatter [tilespmem:s31], [sflag:$0x4], $0xC000, $0x38;
	[tilespmem:$0x1C000] =	vst v63  }
0x16c: {  	_ = 	snop  }
0x16d: {  	[hbm4b:s25+s2] =	stream.linear.scatter [tilespmem:s31], [sflag:$0x4], $0xC000, $0x38;
	[tilespmem:$0x1C000] =	vst v63  }
0x16e: {  	_ = 	snop  }
0x16f: {  	[hbm4b:s26+s2] =	stream.linear.scatter [tilespmem:s31], [sflag:$0x4], $0xC000, $0x38;
	[tilespmem:$0x1C000] =	vst v63  }
0x170: {  	_ =	swait.ge [sflag:s3], $0x10000  }
0x171: {  	[sflag:s3] =	ssyncset.done $0x0  }
0x172: {  	[sflag:s3] =	ssyncadd.s32 $0xFFFF0000  }
0x173: {  	_ =	swait.ge [sflag:s3], $0x10000  }
0x174: {  	[sflag:s3] =	ssyncset.done $0x0  }
0x175: {  	[sflag:s3] =	ssyncadd.s32 $0xFFFF0000  }
0x176: {  	_ =	swait.ge [sflag:s3], $0x10000  }
0x177: {  	[sflag:s3] =	ssyncset.done $0x0  }
0x178: {  	[sflag:s3] =	ssyncadd.s32 $0xFFFF0000  }
0x179: {  	_ =	swait.ge [sflag:s3], $0x10000  }
0x17a: {  	[sflag:s3] =	ssyncset.done $0x0  }
0x17b: {  	[sflag:s3] =	ssyncadd.s32 $0xFFFF0000  }
0x17c: {  	[tilespmem:s2], [sflag:$0x1] =	stream.linear.gather [hbm4b:s21+s2], $0x10000, $0x38;
	[tilespmem:$0x1C000] =	vst v63  }
0x17d: {  	_ =	swait.ge [sflag:s10], $0x10000  }
0x17e: {  	[sflag:s10] =	ssyncset.done $0x0  }
0x17f: {  	[sflag:s10] =	ssyncadd.s32 $0xFFFF0000  }
0x180: {  	[hbm4b:s20+s2] =	stream.linear.scatter [tilespmem:s2], [sflag:$0x3], $0x10000, $0x38;
	[tilespmem:$0x1C000] =	vst v63  }
0x181: {  	_ = 	snop  }
0x182: {  	[hbm4b:s17+s2] =	stream.linear.scatter [tilespmem:s2], [sflag:$0x3], $0x10000, $0x38;
	[tilespmem:$0x1C000] =	vst v63  }
0x183: {  	_ = 	snop  }
0x184: {  	[hbm4b:s18+s2] =	stream.linear.scatter [tilespmem:s2], [sflag:$0x3], $0x10000, $0x38;
	[tilespmem:$0x1C000] =	vst v63  }
0x185: {  	_ = 	snop  }
0x186: {  	[hbm4b:s19+s2] =	stream.linear.scatter [tilespmem:s2], [sflag:$0x3], $0x10000, $0x38;
	[tilespmem:$0x1C000] =	vst v63  }
0x187: {  	_ =	swait.ge [sflag:s4], $0xC000  }
0x188: {  	[sflag:s4] =	ssyncset.done $0x0  }
0x189: {  	[sflag:s4] =	ssyncadd.s32 $0xFFFF4000  }
0x18a: {  	_ =	swait.ge [sflag:s4], $0xC000  }
0x18b: {  	[sflag:s4] =	ssyncset.done $0x0  }
0x18c: {  	[sflag:s4] =	ssyncadd.s32 $0xFFFF4000  }
0x18d: {  	_ =	swait.ge [sflag:s4], $0xC000  }
0x18e: {  	[sflag:s4] =	ssyncset.done $0x0  }
0x18f: {  	[sflag:s4] =	ssyncadd.s32 $0xFFFF4000  }
0x190: {  	_ =	swait.ge [sflag:s4], $0xC000  }
0x191: {  	[sflag:s4] =	ssyncset.done $0x0  }
0x192: {  	[sflag:s4] =	ssyncadd.s32 $0xFFFF4000  }
0x193: {  	[tilespmem:s31], [sflag:$0x2] =	stream.linear.gather [hbm4b:s15+s2], $0xC000, $0x38;
	[tilespmem:$0x1C000] =	vst v63  }
0x194: {  	_ =	swait.ge [sflag:s22], $0xC000  }
0x195: {  	[sflag:s22] =	ssyncset.done $0x0  }
0x196: {  	[sflag:s22] =	ssyncadd.s32 $0xFFFF4000  }
0x197: {  	[hbm4b:s14+s2] =	stream.linear.scatter [tilespmem:s31], [sflag:$0x4], $0xC000, $0x38;
	[tilespmem:$0x1C000] =	vst v63  }
0x198: {  	_ = 	snop  }
0x199: {  	[hbm4b:s11+s2] =	stream.linear.scatter [tilespmem:s31], [sflag:$0x4], $0xC000, $0x38;
	[tilespmem:$0x1C000] =	vst v63  }
0x19a: {  	_ = 	snop  }
0x19b: {  	[hbm4b:s12+s2] =	stream.linear.scatter [tilespmem:s31], [sflag:$0x4], $0xC000, $0x38;
	[tilespmem:$0x1C000] =	vst v63  }
0x19c: {  	_ = 	snop  }
0x19d: {  	[hbm4b:s13+s2] =	stream.linear.scatter [tilespmem:s31], [sflag:$0x4], $0xC000, $0x38;
	[tilespmem:$0x1C000] =	vst v63  }
0x19e: {  	_ =	swait.ge [sflag:s3], $0x10000  }
0x19f: {  	[sflag:s3] =	ssyncset.done $0x0  }
0x1a0: {  	[sflag:s3] =	ssyncadd.s32 $0xFFFF0000  }
0x1a1: {  	_ =	swait.ge [sflag:s3], $0x10000  }
0x1a2: {  	[sflag:s3] =	ssyncset.done $0x0  }
0x1a3: {  	[sflag:s3] =	ssyncadd.s32 $0xFFFF0000  }
0x1a4: {  	_ =	swait.ge [sflag:s3], $0x10000  }
0x1a5: {  	[sflag:s3] =	ssyncset.done $0x0  }
0x1a6: {  	[sflag:s3] =	ssyncadd.s32 $0xFFFF0000  }
0x1a7: {  	_ =	swait.ge [sflag:s3], $0x10000  }
0x1a8: {  	[sflag:s3] =	ssyncset.done $0x0  }
0x1a9: {  	[sflag:s3] =	ssyncadd.s32 $0xFFFF0000  }
0x1aa: {  	[tilespmem:s2], [sflag:$0x1] =	stream.linear.gather [hbm4b:s8+s2], $0x10000, $0x38;
	[tilespmem:$0x1C000] =	vst v63  }
0x1ab: {  	_ =	swait.ge [sflag:s10], $0x10000  }
0x1ac: {  	[sflag:s10] =	ssyncset.done $0x0  }
0x1ad: {  	[sflag:s10] =	ssyncadd.s32 $0xFFFF0000  }
0x1ae: {  	[hbm4b:s6+s2] =	stream.linear.scatter [tilespmem:s2], [sflag:$0x3], $0x10000, $0x38;
	[tilespmem:$0x1C000] =	vst v63  }
0x1af: {  	_ = 	snop  }
0x1b0: {  	[hbm4b:s1+s2] =	stream.linear.scatter [tilespmem:s2], [sflag:$0x3], $0x10000, $0x38;
	[tilespmem:$0x1C000] =	vst v63  }
0x1b1: {  	_ = 	snop  }
0x1b2: {  	[hbm4b:s7+s2] =	stream.linear.scatter [tilespmem:s2], [sflag:$0x3], $0x10000, $0x38;
	[tilespmem:$0x1C000] =	vst v63  }
0x1b3: {  	_ = 	snop  }
0x1b4: {  	[hbm4b:s9+s2] =	stream.linear.scatter [tilespmem:s2], [sflag:$0x3], $0x10000, $0x38;
	[tilespmem:$0x1C000] =	vst v63  }
0x1b5: {  	_ =	swait.ge [sflag:s4], $0xC000  }
0x1b6: {  	[sflag:s4] =	ssyncset.done $0x0  }
0x1b7: {  	[sflag:s4] =	ssyncadd.s32 $0xFFFF4000  }
0x1b8: {  	_ =	swait.ge [sflag:s4], $0xC000  }
0x1b9: {  	[sflag:s4] =	ssyncset.done $0x0  }
0x1ba: {  	[sflag:s4] =	ssyncadd.s32 $0xFFFF4000  }
0x1bb: {  	_ =	swait.ge [sflag:s4], $0xC000  }
0x1bc: {  	[sflag:s4] =	ssyncset.done $0x0  }
0x1bd: {  	[sflag:s4] =	ssyncadd.s32 $0xFFFF4000  }
0x1be: {  	_ =	swait.ge [sflag:s4], $0xC000  }
0x1bf: {  	[sflag:s4] =	ssyncset.done $0x0  }
0x1c0: {  	[sflag:s4] =	ssyncadd.s32 $0xFFFF4000  }
0x1c1: {  	_ =	swait.ge [sflag:s3], $0x10000  }
0x1c2: {  	[sflag:s3] =	ssyncset.done $0x0  }
0x1c3: {  	[sflag:s3] =	ssyncadd.s32 $0xFFFF0000  }
0x1c4: {  	_ =	swait.ge [sflag:s3], $0x10000  }
0x1c5: {  	[sflag:s3] =	ssyncset.done $0x0  }
0x1c6: {  	p1 =	sne.s32 s0, $0x1;
	[sflag:s3] =	ssyncadd.s32 $0xFFFF0000  }
.Ltmp2:
0x1c7: {  	_ =	swait.ge [sflag:s3], $0x10000;
	(pc) =	sbr.rel @p1 .LBB2_2-.Ltmp2, $4  }
0x1c8: {  	[sflag:s3] =	ssyncset.done $0x0  }
0x1c9: {  	[sflag:s3] =	ssyncadd.s32 $0xFFFF0000  }
0x1ca: {  	s0 =	sadd.s32 $0xFFFFFFFF, s0;
	s5 =	smov.u32 s6;
	_ =	swait.ge [sflag:s3], $0x10000  }
0x1cb: {  	s6 =	smov.u32 s1;
	s1 =	rddreg [dreg:$0x3];
	[sflag:s3] =	ssyncset.done $0x0  }
.LBB2_3:
0x1cc: {  	[sflag:s3] =	ssyncadd.s32 @p0 $0xFFFF0000  }
0x1cd: {  	[tilespmem:s2], [sflag:$0x1] =	stream.linear.gather [hbm4b:s1+s2], $0x10000, $0x38;
	[tilespmem:$0x1C000] =	vst v63  }
0x1ce: {  	_ =	swait.ge [sflag:s10], $0x10000  }
0x1cf: {  	[sflag:s10] =	ssyncset.done $0x0  }
0x1d0: {  	[sflag:s10] =	ssyncadd.s32 $0xFFFF0000  }
0x1d1: {  	[hbm4b:s16+s2] =	stream.linear.scatter [tilespmem:s2], [sflag:$0x3], $0x10000, $0x38;
	[tilespmem:$0x1C000] =	vst v63  }
0x1d2: {  	s0 =	rddreg [dreg:$0x4]  }
0x1d3: {  	[hbm4b:s0+s2] =	stream.linear.scatter [tilespmem:s2], [sflag:$0x3], $0x10000, $0x38;
	[tilespmem:$0x1C000] =	vst v63  }
0x1d4: {  	s16 =	rddreg [dreg:$0x5]  }
0x1d5: {  	[hbm4b:s16+s2] =	stream.linear.scatter [tilespmem:s2], [sflag:$0x3], $0x10000, $0x38;
	[tilespmem:$0x1C000] =	vst v63  }
0x1d6: {  	s0 =	rddreg [dreg:$0x6]  }
0x1d7: {  	[hbm4b:s0+s2] =	stream.linear.scatter [tilespmem:s2], [sflag:$0x3], $0x10000, $0x38;
	[tilespmem:$0x1C000] =	vst v63  }
0x1d8: {  	s16 =	rddreg [dreg:$0x7]  }
0x1d9: {  	[tilespmem:s31], [sflag:$0x2] =	stream.linear.gather [hbm4b:s16+s2], $0xC000, $0x38;
	[tilespmem:$0x1C000] =	vst v63  }
0x1da: {  	_ =	swait.ge [sflag:s22], $0xC000  }
0x1db: {  	[sflag:s22] =	ssyncset.done $0x0  }
0x1dc: {  	s1 =	rddreg [dreg:$0x8];
	[sflag:s22] =	ssyncadd.s32 $0xFFFF4000  }
0x1dd: {  	[hbm4b:s1+s2] =	stream.linear.scatter [tilespmem:s31], [sflag:$0x4], $0xC000, $0x38;
	[tilespmem:$0x1C000] =	vst v63  }
0x1de: {  	s16 =	rddreg [dreg:$0x9]  }
0x1df: {  	[hbm4b:s16+s2] =	stream.linear.scatter [tilespmem:s31], [sflag:$0x4], $0xC000, $0x38;
	[tilespmem:$0x1C000] =	vst v63  }
0x1e0: {  	s0 =	rddreg [dreg:$0xa]  }
0x1e1: {  	[hbm4b:s0+s2] =	stream.linear.scatter [tilespmem:s31], [sflag:$0x4], $0xC000, $0x38;
	[tilespmem:$0x1C000] =	vst v63  }
0x1e2: {  	s16 =	rddreg [dreg:$0xb]  }
0x1e3: {  	[hbm4b:s16+s2] =	stream.linear.scatter [tilespmem:s31], [sflag:$0x4], $0xC000, $0x38;
	[tilespmem:$0x1C000] =	vst v63  }
0x1e4: {  	_ =	swait.ge [sflag:s3], $0x10000  }
0x1e5: {  	[sflag:s3] =	ssyncset.done $0x0  }
0x1e6: {  	[sflag:s3] =	ssyncadd.s32 $0xFFFF0000  }
0x1e7: {  	_ =	swait.ge [sflag:s3], $0x10000  }
0x1e8: {  	[sflag:s3] =	ssyncset.done $0x0  }
0x1e9: {  	[sflag:s3] =	ssyncadd.s32 $0xFFFF0000  }
0x1ea: {  	_ =	swait.ge [sflag:s3], $0x10000  }
0x1eb: {  	[sflag:s3] =	ssyncset.done $0x0  }
0x1ec: {  	[sflag:s3] =	ssyncadd.s32 $0xFFFF0000  }
0x1ed: {  	_ =	swait.ge [sflag:s3], $0x10000  }
0x1ee: {  	[sflag:s3] =	ssyncset.done $0x0  }
0x1ef: {  	s16 =	rddreg [dreg:$0xc];
	[sflag:s3] =	ssyncadd.s32 $0xFFFF0000  }
0x1f0: {  	[tilespmem:s2], [sflag:$0x1] =	stream.linear.gather [hbm4b:s16+s2], $0x10000, $0x38;
	[tilespmem:$0x1C000] =	vst v63  }
0x1f1: {  	_ =	swait.ge [sflag:s10], $0x10000  }
0x1f2: {  	[sflag:s10] =	ssyncset.done $0x0  }
0x1f3: {  	s1 =	rddreg [dreg:$0xd];
	[sflag:s10] =	ssyncadd.s32 $0xFFFF0000  }
0x1f4: {  	[hbm4b:s1+s2] =	stream.linear.scatter [tilespmem:s2], [sflag:$0x3], $0x10000, $0x38;
	[tilespmem:$0x1C000] =	vst v63  }
0x1f5: {  	s16 =	rddreg [dreg:$0xe]  }
0x1f6: {  	[hbm4b:s16+s2] =	stream.linear.scatter [tilespmem:s2], [sflag:$0x3], $0x10000, $0x38;
	[tilespmem:$0x1C000] =	vst v63  }
0x1f7: {  	s0 =	rddreg [dreg:$0xf]  }
0x1f8: {  	[hbm4b:s0+s2] =	stream.linear.scatter [tilespmem:s2], [sflag:$0x3], $0x10000, $0x38;
	[tilespmem:$0x1C000] =	vst v63  }
0x1f9: {  	s16 =	rddreg [dreg:$0x10]  }
0x1fa: {  	[hbm4b:s16+s2] =	stream.linear.scatter [tilespmem:s2], [sflag:$0x3], $0x10000, $0x38;
	[tilespmem:$0x1C000] =	vst v63  }
0x1fb: {  	_ =	swait.ge [sflag:s4], $0xC000  }
0x1fc: {  	[sflag:s4] =	ssyncset.done $0x0  }
0x1fd: {  	[sflag:s4] =	ssyncadd.s32 $0xFFFF4000  }
0x1fe: {  	_ =	swait.ge [sflag:s4], $0xC000  }
0x1ff: {  	[sflag:s4] =	ssyncset.done $0x0  }
0x200: {  	[sflag:s4] =	ssyncadd.s32 $0xFFFF4000  }
0x201: {  	_ =	swait.ge [sflag:s4], $0xC000  }
0x202: {  	[sflag:s4] =	ssyncset.done $0x0  }
0x203: {  	[sflag:s4] =	ssyncadd.s32 $0xFFFF4000  }
0x204: {  	_ =	swait.ge [sflag:s4], $0xC000  }
0x205: {  	[sflag:s4] =	ssyncset.done $0x0  }
0x206: {  	s16 =	rddreg [dreg:$0x11];
	[sflag:s4] =	ssyncadd.s32 $0xFFFF4000  }
0x207: {  	[tilespmem:s31], [sflag:$0x2] =	stream.linear.gather [hbm4b:s16+s2], $0xC000, $0x38;
	[tilespmem:$0x1C000] =	vst v63  }
0x208: {  	_ =	swait.ge [sflag:s22], $0xC000  }
0x209: {  	[sflag:s22] =	ssyncset.done $0x0  }
0x20a: {  	s1 =	rddreg [dreg:$0x12];
	[sflag:s22] =	ssyncadd.s32 $0xFFFF4000  }
0x20b: {  	[hbm4b:s1+s2] =	stream.linear.scatter [tilespmem:s31], [sflag:$0x4], $0xC000, $0x38;
	[tilespmem:$0x1C000] =	vst v63  }
0x20c: {  	s16 =	rddreg [dreg:$0x13]  }
0x20d: {  	[hbm4b:s16+s2] =	stream.linear.scatter [tilespmem:s31], [sflag:$0x4], $0xC000, $0x38;
	[tilespmem:$0x1C000] =	vst v63  }
0x20e: {  	s0 =	rddreg [dreg:$0x14]  }
0x20f: {  	[hbm4b:s0+s2] =	stream.linear.scatter [tilespmem:s31], [sflag:$0x4], $0xC000, $0x38;
	[tilespmem:$0x1C000] =	vst v63  }
0x210: {  	s16 =	rddreg [dreg:$0x15]  }
0x211: {  	[hbm4b:s16+s2] =	stream.linear.scatter [tilespmem:s31], [sflag:$0x4], $0xC000, $0x38;
	[tilespmem:$0x1C000] =	vst v63  }
0x212: {  	_ =	swait.ge [sflag:s3], $0x10000  }
0x213: {  	[sflag:s3] =	ssyncset.done $0x0  }
0x214: {  	[sflag:s3] =	ssyncadd.s32 $0xFFFF0000  }
0x215: {  	_ =	swait.ge [sflag:s3], $0x10000  }
0x216: {  	[sflag:s3] =	ssyncset.done $0x0  }
0x217: {  	[sflag:s3] =	ssyncadd.s32 $0xFFFF0000  }
0x218: {  	_ =	swait.ge [sflag:s3], $0x10000  }
0x219: {  	[sflag:s3] =	ssyncset.done $0x0  }
0x21a: {  	[sflag:s3] =	ssyncadd.s32 $0xFFFF0000  }
0x21b: {  	_ =	swait.ge [sflag:s3], $0x10000  }
0x21c: {  	[sflag:s3] =	ssyncset.done $0x0  }
0x21d: {  	s16 =	rddreg [dreg:$0x16];
	[sflag:s3] =	ssyncadd.s32 $0xFFFF0000  }
0x21e: {  	[tilespmem:s2], [sflag:$0x1] =	stream.linear.gather [hbm4b:s16+s2], $0x10000, $0x38;
	[tilespmem:$0x1C000] =	vst v63  }
0x21f: {  	_ =	swait.ge [sflag:s10], $0x10000  }
0x220: {  	[sflag:s10] =	ssyncset.done $0x0  }
0x221: {  	s1 =	rddreg [dreg:$0x17];
	[sflag:s10] =	ssyncadd.s32 $0xFFFF0000  }
0x222: {  	[hbm4b:s1+s2] =	stream.linear.scatter [tilespmem:s2], [sflag:$0x3], $0x10000, $0x38;
	[tilespmem:$0x1C000] =	vst v63  }
0x223: {  	s16 =	rddreg [dreg:$0x18]  }
0x224: {  	[hbm4b:s16+s2] =	stream.linear.scatter [tilespmem:s2], [sflag:$0x3], $0x10000, $0x38;
	[tilespmem:$0x1C000] =	vst v63  }
0x225: {  	_ = 	snop  }
0x226: {  	[hbm4b:s29+s2] =	stream.linear.scatter [tilespmem:s2], [sflag:$0x3], $0x10000, $0x38;
	[tilespmem:$0x1C000] =	vst v63  }
0x227: {  	_ = 	snop  }
0x228: {  	[hbm4b:s30+s2] =	stream.linear.scatter [tilespmem:s2], [sflag:$0x3], $0x10000, $0x38;
	[tilespmem:$0x1C000] =	vst v63  }
0x229: {  	_ =	swait.ge [sflag:s4], $0xC000  }
0x22a: {  	[sflag:s4] =	ssyncset.done $0x0  }
0x22b: {  	[sflag:s4] =	ssyncadd.s32 $0xFFFF4000  }
0x22c: {  	_ =	swait.ge [sflag:s4], $0xC000  }
0x22d: {  	[sflag:s4] =	ssyncset.done $0x0  }
0x22e: {  	[sflag:s4] =	ssyncadd.s32 $0xFFFF4000  }
0x22f: {  	_ =	swait.ge [sflag:s4], $0xC000  }
0x230: {  	[sflag:s4] =	ssyncset.done $0x0  }
0x231: {  	[sflag:s4] =	ssyncadd.s32 $0xFFFF4000  }
0x232: {  	_ =	swait.ge [sflag:s4], $0xC000  }
0x233: {  	[sflag:s4] =	ssyncset.done $0x0  }
0x234: {  	[sflag:s4] =	ssyncadd.s32 $0xFFFF4000  }
0x235: {  	[tilespmem:s31], [sflag:$0x2] =	stream.linear.gather [hbm4b:s28+s2], $0xC000, $0x38;
	[tilespmem:$0x1C000] =	vst v63  }
0x236: {  	_ =	swait.ge [sflag:s22], $0xC000  }
0x237: {  	[sflag:s22] =	ssyncset.done $0x0  }
0x238: {  	[sflag:s22] =	ssyncadd.s32 $0xFFFF4000  }
0x239: {  	[hbm4b:s23+s2] =	stream.linear.scatter [tilespmem:s31], [sflag:$0x4], $0xC000, $0x38;
	[tilespmem:$0x1C000] =	vst v63  }
0x23a: {  	_ = 	snop  }
0x23b: {  	[hbm4b:s24+s2] =	stream.linear.scatter [tilespmem:s31], [sflag:$0x4], $0xC000, $0x38;
	[tilespmem:$0x1C000] =	vst v63  }
0x23c: {  	_ = 	snop  }
0x23d: {  	[hbm4b:s25+s2] =	stream.linear.scatter [tilespmem:s31], [sflag:$0x4], $0xC000, $0x38;
	[tilespmem:$0x1C000] =	vst v63  }
0x23e: {  	_ = 	snop  }
0x23f: {  	[hbm4b:s26+s2] =	stream.linear.scatter [tilespmem:s31], [sflag:$0x4], $0xC000, $0x38;
	[tilespmem:$0x1C000] =	vst v63  }
0x240: {  	_ =	swait.ge [sflag:s3], $0x10000  }
0x241: {  	[sflag:s3] =	ssyncset.done $0x0  }
0x242: {  	[sflag:s3] =	ssyncadd.s32 $0xFFFF0000  }
0x243: {  	_ =	swait.ge [sflag:s3], $0x10000  }
0x244: {  	[sflag:s3] =	ssyncset.done $0x0  }
0x245: {  	[sflag:s3] =	ssyncadd.s32 $0xFFFF0000  }
0x246: {  	_ =	swait.ge [sflag:s3], $0x10000  }
0x247: {  	[sflag:s3] =	ssyncset.done $0x0  }
0x248: {  	[sflag:s3] =	ssyncadd.s32 $0xFFFF0000  }
0x249: {  	_ =	swait.ge [sflag:s3], $0x10000  }
0x24a: {  	[sflag:s3] =	ssyncset.done $0x0  }
0x24b: {  	[sflag:s3] =	ssyncadd.s32 $0xFFFF0000  }
0x24c: {  	[tilespmem:s2], [sflag:$0x1] =	stream.linear.gather [hbm4b:s21+s2], $0x10000, $0x38;
	[tilespmem:$0x1C000] =	vst v63  }
0x24d: {  	_ =	swait.ge [sflag:s10], $0x10000  }
0x24e: {  	[sflag:s10] =	ssyncset.done $0x0  }
0x24f: {  	[sflag:s10] =	ssyncadd.s32 $0xFFFF0000  }
0x250: {  	[hbm4b:s20+s2] =	stream.linear.scatter [tilespmem:s2], [sflag:$0x3], $0x10000, $0x38;
	[tilespmem:$0x1C000] =	vst v63  }
0x251: {  	_ = 	snop  }
0x252: {  	[hbm4b:s17+s2] =	stream.linear.scatter [tilespmem:s2], [sflag:$0x3], $0x10000, $0x38;
	[tilespmem:$0x1C000] =	vst v63  }
0x253: {  	_ = 	snop  }
0x254: {  	[hbm4b:s18+s2] =	stream.linear.scatter [tilespmem:s2], [sflag:$0x3], $0x10000, $0x38;
	[tilespmem:$0x1C000] =	vst v63  }
0x255: {  	_ = 	snop  }
0x256: {  	[hbm4b:s19+s2] =	stream.linear.scatter [tilespmem:s2], [sflag:$0x3], $0x10000, $0x38;
	[tilespmem:$0x1C000] =	vst v63  }
0x257: {  	_ =	swait.ge [sflag:s4], $0xC000  }
0x258: {  	[sflag:s4] =	ssyncset.done $0x0  }
0x259: {  	[sflag:s4] =	ssyncadd.s32 $0xFFFF4000  }
0x25a: {  	_ =	swait.ge [sflag:s4], $0xC000  }
0x25b: {  	[sflag:s4] =	ssyncset.done $0x0  }
0x25c: {  	[sflag:s4] =	ssyncadd.s32 $0xFFFF4000  }
0x25d: {  	_ =	swait.ge [sflag:s4], $0xC000  }
0x25e: {  	[sflag:s4] =	ssyncset.done $0x0  }
0x25f: {  	[sflag:s4] =	ssyncadd.s32 $0xFFFF4000  }
0x260: {  	_ =	swait.ge [sflag:s4], $0xC000  }
0x261: {  	[sflag:s4] =	ssyncset.done $0x0  }
0x262: {  	[sflag:s4] =	ssyncadd.s32 $0xFFFF4000  }
0x263: {  	[tilespmem:s31], [sflag:$0x2] =	stream.linear.gather [hbm4b:s15+s2], $0xC000, $0x38;
	[tilespmem:$0x1C000] =	vst v63  }
0x264: {  	_ =	swait.ge [sflag:s22], $0xC000  }
0x265: {  	[sflag:s22] =	ssyncset.done $0x0  }
0x266: {  	[sflag:s22] =	ssyncadd.s32 $0xFFFF4000  }
0x267: {  	[hbm4b:s14+s2] =	stream.linear.scatter [tilespmem:s31], [sflag:$0x4], $0xC000, $0x38;
	[tilespmem:$0x1C000] =	vst v63  }
0x268: {  	_ = 	snop  }
0x269: {  	[hbm4b:s11+s2] =	stream.linear.scatter [tilespmem:s31], [sflag:$0x4], $0xC000, $0x38;
	[tilespmem:$0x1C000] =	vst v63  }
0x26a: {  	_ = 	snop  }
0x26b: {  	[hbm4b:s12+s2] =	stream.linear.scatter [tilespmem:s31], [sflag:$0x4], $0xC000, $0x38;
	[tilespmem:$0x1C000] =	vst v63  }
0x26c: {  	_ = 	snop  }
0x26d: {  	[hbm4b:s13+s2] =	stream.linear.scatter [tilespmem:s31], [sflag:$0x4], $0xC000, $0x38;
	[tilespmem:$0x1C000] =	vst v63  }
0x26e: {  	_ =	swait.ge [sflag:s3], $0x10000  }
0x26f: {  	[sflag:s3] =	ssyncset.done $0x0  }
0x270: {  	[sflag:s3] =	ssyncadd.s32 $0xFFFF0000  }
0x271: {  	_ =	swait.ge [sflag:s3], $0x10000  }
0x272: {  	[sflag:s3] =	ssyncset.done $0x0  }
0x273: {  	[sflag:s3] =	ssyncadd.s32 $0xFFFF0000  }
0x274: {  	_ =	swait.ge [sflag:s3], $0x10000  }
0x275: {  	[sflag:s3] =	ssyncset.done $0x0  }
0x276: {  	[sflag:s3] =	ssyncadd.s32 $0xFFFF0000  }
0x277: {  	_ =	swait.ge [sflag:s3], $0x10000  }
0x278: {  	[sflag:s3] =	ssyncset.done $0x0  }
0x279: {  	[sflag:s3] =	ssyncadd.s32 $0xFFFF0000  }
0x27a: {  	[tilespmem:s2], [sflag:$0x1] =	stream.linear.gather [hbm4b:s8+s2], $0x10000, $0x38;
	[tilespmem:$0x1C000] =	vst v63  }
0x27b: {  	_ =	swait.ge [sflag:s10], $0x10000  }
0x27c: {  	[sflag:s10] =	ssyncset.done $0x0  }
0x27d: {  	[sflag:s10] =	ssyncadd.s32 $0xFFFF0000  }
0x27e: {  	[hbm4b:s5+s2] =	stream.linear.scatter [tilespmem:s2], [sflag:$0x3], $0x10000, $0x38;
	[tilespmem:$0x1C000] =	vst v63  }
0x27f: {  	_ = 	snop  }
0x280: {  	[hbm4b:s6+s2] =	stream.linear.scatter [tilespmem:s2], [sflag:$0x3], $0x10000, $0x38;
	[tilespmem:$0x1C000] =	vst v63  }
0x281: {  	_ = 	snop  }
0x282: {  	[hbm4b:s7+s2] =	stream.linear.scatter [tilespmem:s2], [sflag:$0x3], $0x10000, $0x38;
	[tilespmem:$0x1C000] =	vst v63  }
0x283: {  	_ = 	snop  }
0x284: {  	[hbm4b:s9+s2] =	stream.linear.scatter [tilespmem:s2], [sflag:$0x3], $0x10000, $0x38;
	[tilespmem:$0x1C000] =	vst v63  }
0x285: {  	_ =	swait.ge [sflag:s4], $0xC000  }
0x286: {  	[sflag:s4] =	ssyncset.done $0x0  }
0x287: {  	[sflag:s4] =	ssyncadd.s32 $0xFFFF4000  }
0x288: {  	_ =	swait.ge [sflag:s4], $0xC000  }
0x289: {  	[sflag:s4] =	ssyncset.done $0x0  }
0x28a: {  	[sflag:s4] =	ssyncadd.s32 $0xFFFF4000  }
0x28b: {  	_ =	swait.ge [sflag:s4], $0xC000  }
0x28c: {  	[sflag:s4] =	ssyncset.done $0x0  }
0x28d: {  	[sflag:s4] =	ssyncadd.s32 $0xFFFF4000  }
0x28e: {  	_ =	swait.ge [sflag:s4], $0xC000  }
0x28f: {  	[sflag:s4] =	ssyncset.done $0x0  }
0x290: {  	[sflag:s4] =	ssyncadd.s32 $0xFFFF4000  }
0x291: {  	_ =	swait.ge [sflag:s3], $0x10000  }
0x292: {  	[sflag:s3] =	ssyncset.done $0x0  }
0x293: {  	[sflag:s3] =	ssyncadd.s32 $0xFFFF0000  }
0x294: {  	_ =	swait.ge [sflag:s3], $0x10000  }
0x295: {  	[sflag:s3] =	ssyncset.done $0x0  }
0x296: {  	[sflag:s3] =	ssyncadd.s32 $0xFFFF0000  }
0x297: {  	_ =	swait.ge [sflag:s3], $0x10000  }
0x298: {  	[sflag:s3] =	ssyncset.done $0x0  }
0x299: {  	[sflag:s3] =	ssyncadd.s32 $0xFFFF0000  }
0x29a: {  	_ =	swait.ge [sflag:s3], $0x10000  }
0x29b: {  	[sflag:s3] =	ssyncset.done $0x0  }
0x29c: {  	[sflag:s3] =	ssyncadd.s32 $0xFFFF0000  }
0x29d: {  	_ =	sfence.sel $0x180000  }
0x29e: {  	[bflag:$0x0] =	sbarrier.arrive $0xFFFF  }
0x29f: {  	_ =	strace $0x90000047  }
0x2a0: {  	s31 =	stileid.u32;
	[bflag:$0x2] =	sbarrier.arrive $0xFFFF  }
0x2a1: {  	p0 =	sne.s32 s31, $0x0;
	s0 =	rddreg [dreg:$0x2]  }
0x2a2: {  	s0 =	sadd.s32 @!p0 $0x100000, s0  }
0x2a3: {  	[sflag:s0] =	ssyncadd.tile.s32 @!p0 $0x1;
	_ =	shalt  }
.Lfunc_end2:
_tile_overlayer_lowered:
.L_overlay_start_2:
0x2a4: {  	(tag) =	ssettag $0x2  }
0x2a5: {  	s0 =	rddreg [dreg:$0x0];
	s2 =	stileid.u32  }
0x2a6: {  	s1 =	rddreg [dreg:$0x1];
	p0 =	sne.s32 s2, $0x0  }
0x2a7: {  	s3 =	rddreg [dreg:$0x2];
	[bflag:$0x3] =	sbarrier.arrive $0xFFFF;
	s2 =	simm.s32 @!p0 $0x1C05  }
0x2a8: {  	[timem:s3], [sflag:s2] =	dma.local @!p0 [hbm:s0], s1  }
0x2a9: {  	s0 =	simm.s32 @!p0 $0x5  }
0x2aa: {  	_ =	swait.ge @!p0 [sflag:s0], s1  }
0x2ab: {  	s1 =	ssub.s32 @!p0 $0x0, s1;
	[sflag:s0] =	ssyncset.done @!p0 $0x0  }
0x2ac: {  	[sflag:s0] =	ssyncadd.s32 @!p0 s1  }
0x2ad: {  	[bflag:$0x3] =	sbarrier.arrive $0xFFFF  }
0x2ae: {  	_ =	shalt  }

</sc_bundles>
